<compile_context>
chip_gen: v7x
topology: tpu7x:2x2x1
jax: 0.10.2.dev20260603
libtpu: 0.0.44.dev20260713+nightly
codegen_flags: <defaults>
</compile_context>

<pallas_src>
import jax
import jax.numpy as jnp
from jax import lax
from jax.experimental import pallas as pl
from jax.experimental.pallas import tpu as pltpu
from jax.experimental.pallas import tpu_sc as plsc

B = 4
N = 4096
NPOINT = 512
S = 576
ROWS = B * S
DP = 48
CIN = 35
NSS = (16, 32, 64)
RSQ = (0.2 * 0.2, 0.4 * 0.4, 0.8 * 0.8)
NW = 32
RPW = ROWS // NW
G = 12
NG = RPW // G
RB = 128
CHUNKS = N // 16


def _sc_body(xh, yh, zh, vidxh, voteh, feath,
             nxzh, g0h, g1h, g2h,
             xv, yv, zv, x2v, vteb, cand0, cand1, cand2,
             land0, land1, land2, vidxv, cxr, cyr, czr, sem):
    cid = lax.axis_index("c")
    sid = lax.axis_index("s")
    wid = sid * 2 + cid
    b = wid // (S // RPW)
    base = wid * RPW
    pltpu.sync_copy(xh.at[b], xv)
    pltpu.sync_copy(yh.at[b], yv)
    pltpu.sync_copy(zh.at[b], zv)
    pltpu.sync_copy(vidxh.at[pl.ds(base, RPW)], vidxv.at[pl.ds(0, RPW)])
    pltpu.sync_copy(voteh.at[pl.ds(b * NPOINT * 8, NPOINT * 8)], vteb)
    boff = b * N
    iota = lax.iota(jnp.int32, 16)
    zero16 = jnp.zeros((16,), jnp.int32)
    boffv = jnp.broadcast_to(boff, (16,))
    cands = (cand0, cand1, cand2)

    def bf16r(v):
        u = plsc.bitcast(v, jnp.int32)
        u = (u + 0x7FFF + ((u >> 16) & 1)) & ~0xFFFF
        return plsc.bitcast(u, jnp.float32)

    def pre_body(c, _):
        sl = pl.ds(c * 16, 16)
        px, py, pz = xv[sl], yv[sl], zv[sl]
        x2v[sl] = (px * px + py * py) + pz * pz
        xv[sl] = bf16r(px)
        yv[sl] = bf16r(py)
        zv[sl] = bf16r(pz)
        return 0

    lax.fori_loop(0, CHUNKS, pre_body, 0)

    for q in range(RPW // 16 + 1):
        sl = pl.ds(q * 16, 16)
        vv = vidxv[sl]
        vv = jnp.minimum(jnp.maximum(vv, 0), NPOINT - 1) * 8
        cxr[sl] = plsc.load_gather(vteb, [vv])
        cyr[sl] = plsc.load_gather(vteb, [vv + 1])
        czr[sl] = plsc.load_gather(vteb, [vv + 2])

    def row_body(r, _):
        ridx = jnp.broadcast_to(r, (16,))
        cx = plsc.load_gather(cxr, [ridx])
        cy = plsc.load_gather(cyr, [ridx])
        cz = plsc.load_gather(czr, [ridx])
        c2 = (cx * cx + cy * cy) + cz * cz
        cxb = bf16r(cx)
        cyb = bf16r(cy)
        czb = bf16r(cz)

        candr = tuple(cands[k].at[pl.ds(r * NSS[k], NSS[k])]
                      for k in range(3))

        def chunk(c, carry):
            sl = pl.ds(c * 16, 16)
            dot = (cxb * xv[sl] + cyb * yv[sl]) + czb * zv[sl]
            d = (c2 + x2v[sl]) - 2.0 * dot
            gi = iota + (c * 16 + boff)
            new = []
            for k in range(3):
                ns = NSS[k]
                m = d <= jnp.float32(RSQ[k])
                cnt = carry[k]
                posr = cnt + plsc.cumsum(m.astype(jnp.int32)) - 1
                mst = jnp.logical_and(m, posr < ns)
                pos = jnp.minimum(posr, ns - 1)
                plsc.store_scatter(candr[k], [pos], gi, mask=mst)
                new.append(jnp.minimum(
                    cnt + plsc.all_reduce_population_count(m), ns))
            return tuple(new)

        cnts = lax.fori_loop(0, CHUNKS, chunk, (zero16, zero16, zero16),
                             unroll=4)
        for k in range(3):
            ns = NSS[k]
            cnt = cnts[k]
            first = plsc.load_gather(cands[k], [zero16 + r * ns])
            sel = jnp.where(cnt > 0, first, boffv)
            for q in range(ns // 16):
                slq = pl.ds(r * ns + q * 16, 16)
                keep = (iota + q * 16) < cnt
                cands[k][slq] = jnp.where(keep, cands[k][slq], sel)
        return 0

    lax.fori_loop(0, RPW, row_body, 0)

    ghs = (g0h, g1h, g2h)
    lands = (land0, land1, land2)

    def group(gidx, _):
        row0 = gidx * G
        cps = []
        for k in range(3):
            ns = NSS[k]
            tot = G * ns
            nch = (tot + 127) // 128
            csz = tot // nch
            for j in range(nch):
                idx_ref = cands[k].at[pl.ds(row0 * ns + j * csz, csz)]
                dst = lands[k].at[pl.ds(j * csz, csz)]
                cps.append(pltpu.async_copy(feath.at[idx_ref], dst, sem))
        for cp in cps:
            cp.wait()
        for k in range(3):
            ns = NSS[k]
            pltpu.sync_copy(lands[k],
                            ghs[k].at[pl.ds((base + row0) * ns, G * ns)])
        return 0

    lax.fori_loop(0, NG, group, 0)
    pltpu.sync_copy(cxr.at[pl.ds(0, RPW)], nxzh.at[pl.ds(base, RPW)])
    pltpu.sync_copy(cyr.at[pl.ds(0, RPW)], nxzh.at[pl.ds(ROWS + base, RPW)])
    pltpu.sync_copy(czr.at[pl.ds(0, RPW)],
                    nxzh.at[pl.ds(2 * ROWS + base, RPW)])


_SC_OUT = (
    jax.ShapeDtypeStruct((3 * ROWS,), jnp.float32),
    jax.ShapeDtypeStruct((ROWS * 16, DP), jnp.float32),
    jax.ShapeDtypeStruct((ROWS * 32, DP), jnp.float32),
    jax.ShapeDtypeStruct((ROWS * 64, DP), jnp.float32),
)

_SC_SCRATCH = [
    pltpu.VMEM((N,), jnp.float32),
    pltpu.VMEM((N,), jnp.float32),
    pltpu.VMEM((N,), jnp.float32),
    pltpu.VMEM((N,), jnp.float32),
    pltpu.VMEM((NPOINT * 8,), jnp.float32),
    pltpu.VMEM((RPW * 16,), jnp.int32),
    pltpu.VMEM((RPW * 32,), jnp.int32),
    pltpu.VMEM((RPW * 64,), jnp.int32),
    pltpu.VMEM((G * 16, DP), jnp.float32),
    pltpu.VMEM((G * 32, DP), jnp.float32),
    pltpu.VMEM((G * 64, DP), jnp.float32),
    pltpu.VMEM((RPW + 16,), jnp.int32),
    pltpu.VMEM((RPW + 16,), jnp.float32),
    pltpu.VMEM((RPW + 16,), jnp.float32),
    pltpu.VMEM((RPW + 16,), jnp.float32),
    pltpu.SemaphoreType.DMA,
]

import functools as _functools


@_functools.lru_cache(maxsize=1)
def _get_sc_call():
    return pl.kernel(
        _sc_body,
        out_type=_SC_OUT,
        mesh=plsc.VectorSubcoreMesh(core_axis_name="c", subcore_axis_name="s"),
        scratch_types=_SC_SCRATCH,
        compiler_params=pltpu.CompilerParams(needs_layout_passes=False,
                                             use_tc_tiling_on_sc=False),
    )


def _tc_body(g0, g1, g2, cx,
             w00, w01, w02, w0x,
             w10, w11, w12, w1x,
             w20, w21, w22, w2x,
             wagg, bcat, out):
    cxv = cx[...]
    bc = bcat[...]
    gs = (g0, g1, g2)
    wss = ((w00, w01, w02), (w10, w11, w12), (w20, w21, w22))
    wxs = (w0x, w1x, w2x)
    feats = []
    for k in range(3):
        ns = NSS[k]
        g = gs[k][...]
        w0 = wss[k][0][...]
        c1 = w0.shape[1]
        cb = jnp.dot(cxv, wxs[k][...], preferred_element_type=jnp.float32)
        h = jnp.dot(g, w0, preferred_element_type=jnp.float32)
        b0 = bc[3 * k, :c1][None, None, :]
        h = h.reshape(RB, ns, c1) - cb[:, None, :] + b0
        h = jnp.maximum(h, 0.0).reshape(RB * ns, c1)
        for j in (1, 2):
            w = wss[k][j][...]
            c2 = w.shape[1]
            bj = bc[3 * k + j, :c2][None, :]
            h = jnp.maximum(
                jnp.dot(h, w, preferred_element_type=jnp.float32) + bj, 0.0)
        feats.append(jnp.max(h.reshape(RB, ns, h.shape[-1]), axis=1))
    f = jnp.concatenate(feats, axis=-1)
    ba = bc[9, :][None, :]
    out[...] = jnp.maximum(
        jnp.dot(f, wagg[...], preferred_element_type=jnp.float32) + ba, 0.0)


def _tc_call(g0f, g1f, g2f, nxz, ws, bcat):
    full = [pl.BlockSpec(w.shape, lambda i: (0, 0)) for w in ws]
    return pl.pallas_call(
        _tc_body,
        grid=(ROWS // RB,),
        in_specs=[
            pl.BlockSpec((RB * 16, DP), lambda i: (i, 0)),
            pl.BlockSpec((RB * 32, DP), lambda i: (i, 0)),
            pl.BlockSpec((RB * 64, DP), lambda i: (i, 0)),
            pl.BlockSpec((RB, 8), lambda i: (i, 0)),
        ] + full + [pl.BlockSpec(bcat.shape, lambda i: (0, 0))],
        out_specs=pl.BlockSpec((RB, 256), lambda i: (i, 0)),
        out_shape=jax.ShapeDtypeStruct((ROWS, 256), jnp.float32),
    )(g0f, g1f, g2f, nxz, *ws, bcat)


def kernel(xyz, points, former_fps_idx, vote_ctr,
           W0_0, b0_0, W0_1, b0_1, W0_2, b0_2,
           W1_0, b1_0, W1_1, b1_1, W1_2, b1_2,
           W2_0, b2_0, W2_1, b2_1, W2_2, b2_2,
           W_agg, b_agg):
    x = xyz[:, :, 0]
    y = xyz[:, :, 1]
    z = xyz[:, :, 2]
    featp = jnp.concatenate(
        [xyz, points, jnp.zeros((B, N, DP - CIN), jnp.float32)],
        axis=-1).reshape(B * N, DP)
    votep = jnp.pad(vote_ctr,
                    ((0, 0), (0, 0), (0, 5))).reshape(B * NPOINT * 8)
    ar = jnp.arange(NPOINT, dtype=jnp.int32)
    fps_idx = jnp.concatenate(
        [jnp.broadcast_to(ar[None], (B, NPOINT)),
         former_fps_idx.astype(jnp.int32)], axis=-1)
    vidx = fps_idx.reshape(ROWS)

    nxzp, g0f, g1f, g2f = _get_sc_call()(x, y, z, vidx, votep, featp)
    nxzt = nxzp.reshape(3, ROWS).T
    nxz = jnp.pad(nxzt, ((0, 0), (0, 5)))

    def wp0(w):
        return jnp.pad(w, ((0, 0), (0, DP - w.shape[1]))).T

    def wx(w):
        return jnp.pad(w[:, :3].T, ((0, 5), (0, 0)))

    ws = [wp0(W0_0), W0_1.T, W0_2.T, wx(W0_0),
          wp0(W1_0), W1_1.T, W1_2.T, wx(W1_0),
          wp0(W2_0), W2_1.T, W2_2.T, wx(W2_0),
          W_agg.T]
    bcat = jnp.zeros((16, 256), jnp.float32)
    for i, bb in enumerate([b0_0, b0_1, b0_2, b1_0, b1_1, b1_2,
                            b2_0, b2_1, b2_2, b_agg]):
        bcat = bcat.at[i, :bb.shape[0]].set(bb)

    feat = _tc_call(g0f, g1f, g2f, nxz, ws, bcat)
    return (nxzt.reshape(B, S, 3),
            feat.reshape(B, S, 256),
            fps_idx)

# --- scband reference (transcript-rebuilt; emitter-appended) ---
"""Pipeline reference for scband-pointnet-sa-module-msg-85134841741753 (READ-ONLY COPY).

The authoritative reference and input builder live on the scoring server;
editing this copy changes nothing except your own understanding.
"""

import jax, jax.numpy as jnp
import numpy as np

MLP_SPECS = [[35, 32, 32, 64], [35, 64, 64, 128], [35, 64, 96, 128]]
RADII = [0.2, 0.4, 0.8]
NSAMPLE = [16, 32, 64]
AGG_IN = 320
AGG_OUT = 256


def setup_inputs(seed: int = 0):
    key = jax.random.key(seed)
    ks = jax.random.split(key, 32)
    inp = {}
    inp["xyz"] = jax.random.normal(ks[0], (4, 4096, 3), dtype=jnp.float32)
    inp["points"] = jax.random.normal(ks[1], (4, 4096, 32), dtype=jnp.float32)
    inp["former_fps_idx"] = jax.random.randint(ks[2], (4, 64), 0, 512).astype(jnp.int32)
    inp["vote_ctr"] = jax.random.normal(ks[3], (4, 512, 3), dtype=jnp.float32)
    kidx = 4
    for i, spec in enumerate(MLP_SPECS):
        for j in range(len(spec) - 1):
            inp[f"W{i}_{j}"] = jax.random.normal(ks[kidx], (spec[j + 1], spec[j]), dtype=jnp.float32) * (1.0 / np.sqrt(spec[j]))
            inp[f"b{i}_{j}"] = jnp.zeros((spec[j + 1],), dtype=jnp.float32)
            kidx += 1
    inp["W_agg"] = jax.random.normal(ks[kidx], (AGG_OUT, AGG_IN), dtype=jnp.float32) * (1.0 / np.sqrt(AGG_IN))
    inp["b_agg"] = jnp.zeros((AGG_OUT,), dtype=jnp.float32)
    return inp


def _sq_dist(a, b):
    # a: [B,S,3], b: [B,N,3] -> [B,S,N]
    return (jnp.sum(a * a, -1)[:, :, None] + jnp.sum(b * b, -1)[:, None, :]
            - 2.0 * jnp.einsum('bsd,bnd->bsn', a, b))


def _ball_query(radius, nsample, xyz, new_xyz):
    # replicates pointnet2 CUDA ball_query: first nsample point ids within radius,
    # padded with the first valid id (0 if none found)
    B, N, _ = xyz.shape
    d = _sq_dist(new_xyz, xyz)
    ar = jnp.arange(N, dtype=jnp.int32)[None, None, :]
    cand = jnp.where(d <= radius * radius, ar, N)
    cand = jnp.sort(cand, axis=-1)[:, :, :nsample]
    first = cand[:, :, :1]
    first = jnp.where(first == N, 0, first)
    return jnp.where(cand == N, first, cand)


def _forward(xyz, points, former_fps_idx, vote_ctr, params):
    B, N, _ = xyz.shape
    npoint = vote_ctr.shape[1]
    # vote_ctr is not None branch: fps_idx = arange(npoint) per batch
    fps_idx = jnp.broadcast_to(jnp.arange(npoint, dtype=jnp.int32)[None, :], (B, npoint))
    fps_idx = jnp.concatenate([fps_idx, former_fps_idx.astype(jnp.int32)], axis=-1)
    bidx = jnp.arange(B)[:, None]
    new_xyz = vote_ctr[bidx, fps_idx]  # gather_operation on vote_ctr -> [B,S,3]
    outs = []
    for i, (r, ns) in enumerate(zip(RADII, NSAMPLE)):
        idx = _ball_query(r, ns, xyz, new_xyz)  # [B,S,ns]
        gb = jnp.arange(B)[:, None, None]
        g_xyz = xyz[gb, idx] - new_xyz[:, :, None, :]  # grouping + recentering
        g_pts = points[gb, idx]
        h = jnp.concatenate([g_xyz, g_pts], axis=-1)  # [B,S,ns,3+C]
        for j in range(len(MLP_SPECS[i]) - 1):
            W = params[f"W{i}_{j}"]
            b = params[f"b{i}_{j}"]
            h = jax.nn.relu(jnp.einsum('bsnc,oc->bsno', h, W) + b)  # shared 1x1 conv
        outs.append(jnp.max(h, axis=2))  # max-pool over neighborhood
    feat = jnp.concatenate(outs, axis=-1)  # [B,S,320]
    feat = jax.nn.relu(jnp.einsum('bsc,oc->bso', feat, params["W_agg"]) + params["b_agg"])
    return new_xyz, feat, fps_idx


def reference(xyz, points, former_fps_idx, vote_ctr,
              W0_0, b0_0, W0_1, b0_1, W0_2, b0_2,
              W1_0, b1_0, W1_1, b1_1, W1_2, b1_2,
              W2_0, b2_0, W2_1, b2_1, W2_2, b2_2,
              W_agg, b_agg):
    params = {
        "W0_0": W0_0, "b0_0": b0_0, "W0_1": W0_1, "b0_1": b0_1, "W0_2": W0_2, "b0_2": b0_2,
        "W1_0": W1_0, "b1_0": b1_0, "W1_1": W1_1, "b1_1": b1_1, "W1_2": W1_2, "b1_2": b1_2,
        "W2_0": W2_0, "b2_0": b2_0, "W2_1": W2_1, "b2_1": b2_1, "W2_2": W2_2, "b2_2": b2_2,
        "W_agg": W_agg, "b_agg": b_agg,
    }
    return _forward(xyz, points, former_fps_idx, vote_ctr, params)

if __name__ == "__main__":
    import jax
    _d = setup_inputs()
    print(jax.jit(kernel)(*tuple(_d.values())))

</pallas_src>

<mosaic_0001>
#map = affine_map<(d0, d1) -> (0, 0)>
#map1 = affine_map<(d0, d1) -> (0)>
module attributes {stable_mosaic.version = 14 : i64} {
  func.func @_sc_body(%arg0: i32, %arg1: i32, %arg2: memref<4x4096xf32, #tpu.memory_space<hbm>>, %arg3: memref<4x4096xf32, #tpu.memory_space<hbm>>, %arg4: memref<4x4096xf32, #tpu.memory_space<hbm>>, %arg5: memref<2304xi32, #tpu.memory_space<hbm>>, %arg6: memref<16384xf32, #tpu.memory_space<hbm>>, %arg7: memref<16384x48xf32, #tpu.memory_space<hbm>>, %arg8: memref<6912xf32, #tpu.memory_space<hbm>>, %arg9: memref<36864x48xf32, #tpu.memory_space<hbm>>, %arg10: memref<73728x48xf32, #tpu.memory_space<hbm>>, %arg11: memref<147456x48xf32, #tpu.memory_space<hbm>>, %arg12: memref<4096xf32, #tpu.memory_space<vmem>>, %arg13: memref<4096xf32, #tpu.memory_space<vmem>>, %arg14: memref<4096xf32, #tpu.memory_space<vmem>>, %arg15: memref<4096xf32, #tpu.memory_space<vmem>>, %arg16: memref<4096xf32, #tpu.memory_space<vmem>>, %arg17: memref<1152xi32, #tpu.memory_space<vmem>>, %arg18: memref<2304xi32, #tpu.memory_space<vmem>>, %arg19: memref<4608xi32, #tpu.memory_space<vmem>>, %arg20: memref<192x48xf32, #tpu.memory_space<vmem>>, %arg21: memref<384x48xf32, #tpu.memory_space<vmem>>, %arg22: memref<768x48xf32, #tpu.memory_space<vmem>>, %arg23: memref<88xi32, #tpu.memory_space<vmem>>, %arg24: memref<88xf32, #tpu.memory_space<vmem>>, %arg25: memref<88xf32, #tpu.memory_space<vmem>>, %arg26: memref<88xf32, #tpu.memory_space<vmem>>, %arg27: memref<!tpu.dma_semaphore, #tpu.memory_space<semaphore_mem>>) attributes {dimension_semantics = [#tpu.dimension_semantics<core_parallel>, #tpu.dimension_semantics<subcore_parallel>], iteration_bounds = array<i64: 2, 16>, scalar_prefetch = 0 : i64, scratch_operands = 16 : i64, tpu.core_type = #tpu.core_type<sc_vector_subcore>, window_params = [{transform_indices = #map}, {transform_indices = #map}, {transform_indices = #map}, {transform_indices = #map1}, {transform_indices = #map1}, {transform_indices = #map}, {transform_indices = #map1}, {transform_indices = #map}, {transform_indices = #map}, {transform_indices = #map}]} {
    %mul3A = arith.constant 2 : i32
    %mul3A_0 = arith.muli %arg1, %mul3A : i32
    %add3A = arith.addi %mul3A_0, %arg0 : i32
    %jit3A = arith.constant 8 : i32
    %div3A = arith.divsi %add3A, %jit3A : i32
    %sign3A = arith.constant 0 : i32
    %sign3A_1 = arith.cmpi sgt, %add3A, %sign3A : i32
    %sign3A_2 = arith.extui %sign3A_1 : i1 to i32
    %sign3A_3 = arith.constant 0 : i32
    %sign3A_4 = arith.cmpi slt, %add3A, %sign3A_3 : i32
    %sign3A_5 = arith.extui %sign3A_4 : i1 to i32
    %sign3A_6 = arith.subi %sign3A_2, %sign3A_5 : i32
    %sign3A_7 = arith.constant 0 : i32
    %sign3A_8 = arith.cmpi sgt, %jit3A, %sign3A_7 : i32
    %sign3A_9 = arith.extui %sign3A_8 : i1 to i32
    %sign3A_10 = arith.constant 0 : i32
    %sign3A_11 = arith.cmpi slt, %jit3A, %sign3A_10 : i32
    %sign3A_12 = arith.extui %sign3A_11 : i1 to i32
    %sign3A_13 = arith.subi %sign3A_9, %sign3A_12 : i32
    %ne3A = arith.cmpi ne, %sign3A_6, %sign3A_13 : i32
    %rem3A = arith.remsi %add3A, %jit3A : i32
    %ne3A_14 = arith.constant 0 : i32
    %ne3A_15 = arith.cmpi ne, %rem3A, %ne3A_14 : i32
    %and3A = arith.andi %ne3A, %ne3A_15 : i1
    %sub3A = arith.constant 1 : i32
    %sub3A_16 = arith.subi %div3A, %sub3A : i32
    %select_n3A = arith.select %and3A, %sub3A_16, %div3A : i32
    %mul3A_17 = arith.constant 72 : i32
    %mul3A_18 = arith.muli %add3A, %mul3A_17 : i32
    "tpu.region"() ({
      %run_scoped3A = tpu.sem_alloc : memref<!tpu.dma_semaphore, #tpu.memory_space<semaphore_mem>>
      %dma_start3A = arith.constant 0 : i32
      %dma_start3A_176 = tpu.memref_slice %arg2[%select_n3A, %dma_start3A] : memref<4x4096xf32, #tpu.memory_space<hbm>> -> memref<1x4096xf32, #tpu.memory_space<hbm>>
      %dma_start3A_177 = tpu.memref_squeeze %dma_start3A_176 : memref<1x4096xf32, #tpu.memory_space<hbm>> -> memref<4096xf32, #tpu.memory_space<hbm>>
      %dma_start3A_178 = arith.constant 0 : i32
      %dma_start3A_179 = tpu.memref_slice %arg2[%select_n3A, %dma_start3A_178] : memref<4x4096xf32, #tpu.memory_space<hbm>> -> memref<1x4096xf32, #tpu.memory_space<hbm>>
      %dma_start3A_180 = tpu.memref_squeeze %dma_start3A_179 : memref<1x4096xf32, #tpu.memory_space<hbm>> -> memref<4096xf32, #tpu.memory_space<hbm>>
      tpu.enqueue_dma source(%dma_start3A_180 : memref<4096xf32, #tpu.memory_space<hbm>>) target(%arg12 : memref<4096xf32, #tpu.memory_space<vmem>>) target_semaphore(%run_scoped3A : memref<!tpu.dma_semaphore, #tpu.memory_space<semaphore_mem>>)
      %dma_wait3A = arith.constant 0 : i32
      %dma_wait3A_181 = tpu.memref_slice %arg2[%select_n3A, %dma_wait3A] : memref<4x4096xf32, #tpu.memory_space<hbm>> -> memref<1x4096xf32, #tpu.memory_space<hbm>>
      %dma_wait3A_182 = tpu.memref_squeeze %dma_wait3A_181 : memref<1x4096xf32, #tpu.memory_space<hbm>> -> memref<4096xf32, #tpu.memory_space<hbm>>
      %dma_wait3A_183 = arith.constant 0 : i32
      %dma_wait3A_184 = tpu.memref_slice %arg2[%select_n3A, %dma_wait3A_183] : memref<4x4096xf32, #tpu.memory_space<hbm>> -> memref<1x4096xf32, #tpu.memory_space<hbm>>
      %dma_wait3A_185 = tpu.memref_squeeze %dma_wait3A_184 : memref<1x4096xf32, #tpu.memory_space<hbm>> -> memref<4096xf32, #tpu.memory_space<hbm>>
      tpu.wait_dma2 semaphore(%run_scoped3A : memref<!tpu.dma_semaphore, #tpu.memory_space<semaphore_mem>>) src(%dma_wait3A_185 : memref<4096xf32, #tpu.memory_space<hbm>>) dst(%arg12 : memref<4096xf32, #tpu.memory_space<vmem>>)
      tpu.yield
    }) : () -> ()
    "tpu.region"() ({
      %run_scoped3A = tpu.sem_alloc : memref<!tpu.dma_semaphore, #tpu.memory_space<semaphore_mem>>
      %dma_start3A = arith.constant 0 : i32
      %dma_start3A_176 = tpu.memref_slice %arg3[%select_n3A, %dma_start3A] : memref<4x4096xf32, #tpu.memory_space<hbm>> -> memref<1x4096xf32, #tpu.memory_space<hbm>>
      %dma_start3A_177 = tpu.memref_squeeze %dma_start3A_176 : memref<1x4096xf32, #tpu.memory_space<hbm>> -> memref<4096xf32, #tpu.memory_space<hbm>>
      %dma_start3A_178 = arith.constant 0 : i32
      %dma_start3A_179 = tpu.memref_slice %arg3[%select_n3A, %dma_start3A_178] : memref<4x4096xf32, #tpu.memory_space<hbm>> -> memref<1x4096xf32, #tpu.memory_space<hbm>>
      %dma_start3A_180 = tpu.memref_squeeze %dma_start3A_179 : memref<1x4096xf32, #tpu.memory_space<hbm>> -> memref<4096xf32, #tpu.memory_space<hbm>>
      tpu.enqueue_dma source(%dma_start3A_180 : memref<4096xf32, #tpu.memory_space<hbm>>) target(%arg13 : memref<4096xf32, #tpu.memory_space<vmem>>) target_semaphore(%run_scoped3A : memref<!tpu.dma_semaphore, #tpu.memory_space<semaphore_mem>>)
      %dma_wait3A = arith.constant 0 : i32
      %dma_wait3A_181 = tpu.memref_slice %arg3[%select_n3A, %dma_wait3A] : memref<4x4096xf32, #tpu.memory_space<hbm>> -> memref<1x4096xf32, #tpu.memory_space<hbm>>
      %dma_wait3A_182 = tpu.memref_squeeze %dma_wait3A_181 : memref<1x4096xf32, #tpu.memory_space<hbm>> -> memref<4096xf32, #tpu.memory_space<hbm>>
      %dma_wait3A_183 = arith.constant 0 : i32
      %dma_wait3A_184 = tpu.memref_slice %arg3[%select_n3A, %dma_wait3A_183] : memref<4x4096xf32, #tpu.memory_space<hbm>> -> memref<1x4096xf32, #tpu.memory_space<hbm>>
      %dma_wait3A_185 = tpu.memref_squeeze %dma_wait3A_184 : memref<1x4096xf32, #tpu.memory_space<hbm>> -> memref<4096xf32, #tpu.memory_space<hbm>>
      tpu.wait_dma2 semaphore(%run_scoped3A : memref<!tpu.dma_semaphore, #tpu.memory_space<semaphore_mem>>) src(%dma_wait3A_185 : memref<4096xf32, #tpu.memory_space<hbm>>) dst(%arg13 : memref<4096xf32, #tpu.memory_space<vmem>>)
      tpu.yield
    }) : () -> ()
    "tpu.region"() ({
      %run_scoped3A = tpu.sem_alloc : memref<!tpu.dma_semaphore, #tpu.memory_space<semaphore_mem>>
      %dma_start3A = arith.constant 0 : i32
      %dma_start3A_176 = tpu.memref_slice %arg4[%select_n3A, %dma_start3A] : memref<4x4096xf32, #tpu.memory_space<hbm>> -> memref<1x4096xf32, #tpu.memory_space<hbm>>
      %dma_start3A_177 = tpu.memref_squeeze %dma_start3A_176 : memref<1x4096xf32, #tpu.memory_space<hbm>> -> memref<4096xf32, #tpu.memory_space<hbm>>
      %dma_start3A_178 = arith.constant 0 : i32
      %dma_start3A_179 = tpu.memref_slice %arg4[%select_n3A, %dma_start3A_178] : memref<4x4096xf32, #tpu.memory_space<hbm>> -> memref<1x4096xf32, #tpu.memory_space<hbm>>
      %dma_start3A_180 = tpu.memref_squeeze %dma_start3A_179 : memref<1x4096xf32, #tpu.memory_space<hbm>> -> memref<4096xf32, #tpu.memory_space<hbm>>
      tpu.enqueue_dma source(%dma_start3A_180 : memref<4096xf32, #tpu.memory_space<hbm>>) target(%arg14 : memref<4096xf32, #tpu.memory_space<vmem>>) target_semaphore(%run_scoped3A : memref<!tpu.dma_semaphore, #tpu.memory_space<semaphore_mem>>)
      %dma_wait3A = arith.constant 0 : i32
      %dma_wait3A_181 = tpu.memref_slice %arg4[%select_n3A, %dma_wait3A] : memref<4x4096xf32, #tpu.memory_space<hbm>> -> memref<1x4096xf32, #tpu.memory_space<hbm>>
      %dma_wait3A_182 = tpu.memref_squeeze %dma_wait3A_181 : memref<1x4096xf32, #tpu.memory_space<hbm>> -> memref<4096xf32, #tpu.memory_space<hbm>>
      %dma_wait3A_183 = arith.constant 0 : i32
      %dma_wait3A_184 = tpu.memref_slice %arg4[%select_n3A, %dma_wait3A_183] : memref<4x4096xf32, #tpu.memory_space<hbm>> -> memref<1x4096xf32, #tpu.memory_space<hbm>>
      %dma_wait3A_185 = tpu.memref_squeeze %dma_wait3A_184 : memref<1x4096xf32, #tpu.memory_space<hbm>> -> memref<4096xf32, #tpu.memory_space<hbm>>
      tpu.wait_dma2 semaphore(%run_scoped3A : memref<!tpu.dma_semaphore, #tpu.memory_space<semaphore_mem>>) src(%dma_wait3A_185 : memref<4096xf32, #tpu.memory_space<hbm>>) dst(%arg14 : memref<4096xf32, #tpu.memory_space<vmem>>)
      tpu.yield
    }) : () -> ()
    "tpu.region"() ({
      %run_scoped3A = tpu.sem_alloc : memref<!tpu.dma_semaphore, #tpu.memory_space<semaphore_mem>>
      %dma_start3A = arith.constant 0 : i32
      %dma_start3A_176 = tpu.memref_slice %arg23[%dma_start3A] : memref<88xi32, #tpu.memory_space<vmem>> -> memref<72xi32, #tpu.memory_space<vmem>>
      %dma_start3A_177 = tpu.memref_slice %arg5[%mul3A_18] : memref<2304xi32, #tpu.memory_space<hbm>> -> memref<72xi32, #tpu.memory_space<hbm>>
      %dma_start3A_178 = arith.constant 0 : i32
      %dma_start3A_179 = tpu.memref_slice %arg23[%dma_start3A_178] : memref<88xi32, #tpu.memory_space<vmem>> -> memref<72xi32, #tpu.memory_space<vmem>>
      %dma_start3A_180 = tpu.memref_slice %arg5[%mul3A_18] : memref<2304xi32, #tpu.memory_space<hbm>> -> memref<72xi32, #tpu.memory_space<hbm>>
      tpu.enqueue_dma source(%dma_start3A_180 : memref<72xi32, #tpu.memory_space<hbm>>) target(%dma_start3A_179 : memref<72xi32, #tpu.memory_space<vmem>>) target_semaphore(%run_scoped3A : memref<!tpu.dma_semaphore, #tpu.memory_space<semaphore_mem>>)
      %dma_wait3A = arith.constant 0 : i32
      %dma_wait3A_181 = tpu.memref_slice %arg23[%dma_wait3A] : memref<88xi32, #tpu.memory_space<vmem>> -> memref<72xi32, #tpu.memory_space<vmem>>
      %dma_wait3A_182 = tpu.memref_slice %arg5[%mul3A_18] : memref<2304xi32, #tpu.memory_space<hbm>> -> memref<72xi32, #tpu.memory_space<hbm>>
      %dma_wait3A_183 = arith.constant 0 : i32
      %dma_wait3A_184 = tpu.memref_slice %arg23[%dma_wait3A_183] : memref<88xi32, #tpu.memory_space<vmem>> -> memref<72xi32, #tpu.memory_space<vmem>>
      %dma_wait3A_185 = tpu.memref_slice %arg5[%mul3A_18] : memref<2304xi32, #tpu.memory_space<hbm>> -> memref<72xi32, #tpu.memory_space<hbm>>
      tpu.wait_dma2 semaphore(%run_scoped3A : memref<!tpu.dma_semaphore, #tpu.memory_space<semaphore_mem>>) src(%dma_wait3A_185 : memref<72xi32, #tpu.memory_space<hbm>>) dst(%dma_wait3A_184 : memref<72xi32, #tpu.memory_space<vmem>>)
      tpu.yield
    }) : () -> ()
    %mul3A_19 = arith.constant 512 : i32
    %mul3A_20 = arith.muli %select_n3A, %mul3A_19 : i32
    %mul3A_21 = arith.constant 8 : i32
    %mul3A_22 = arith.muli %mul3A_20, %mul3A_21 : i32
    "tpu.region"() ({
      %run_scoped3A = tpu.sem_alloc : memref<!tpu.dma_semaphore, #tpu.memory_space<semaphore_mem>>
      %dma_start3A = tpu.memref_slice %arg6[%mul3A_22] : memref<16384xf32, #tpu.memory_space<hbm>> -> memref<4096xf32, #tpu.memory_space<hbm>>
      %dma_start3A_176 = tpu.memref_slice %arg6[%mul3A_22] : memref<16384xf32, #tpu.memory_space<hbm>> -> memref<4096xf32, #tpu.memory_space<hbm>>
      tpu.enqueue_dma source(%dma_start3A_176 : memref<4096xf32, #tpu.memory_space<hbm>>) target(%arg16 : memref<4096xf32, #tpu.memory_space<vmem>>) target_semaphore(%run_scoped3A : memref<!tpu.dma_semaphore, #tpu.memory_space<semaphore_mem>>)
      %dma_wait3A = tpu.memref_slice %arg6[%mul3A_22] : memref<16384xf32, #tpu.memory_space<hbm>> -> memref<4096xf32, #tpu.memory_space<hbm>>
      %dma_wait3A_177 = tpu.memref_slice %arg6[%mul3A_22] : memref<16384xf32, #tpu.memory_space<hbm>> -> memref<4096xf32, #tpu.memory_space<hbm>>
      tpu.wait_dma2 semaphore(%run_scoped3A : memref<!tpu.dma_semaphore, #tpu.memory_space<semaphore_mem>>) src(%dma_wait3A_177 : memref<4096xf32, #tpu.memory_space<hbm>>) dst(%arg16 : memref<4096xf32, #tpu.memory_space<vmem>>)
      tpu.yield
    }) : () -> ()
    %mul3A_23 = arith.constant 4096 : i32
    %mul3A_24 = arith.muli %select_n3A, %mul3A_23 : i32
    %iota3A = tpu.iota {dimensions = array<i32: 0>} : vector<16xi32>
    %broadcast_in_dim3A = arith.constant 0 : i32
    %broadcast_in_dim3A_25 = vector.broadcast %broadcast_in_dim3A : i32 to vector<16xi32>
    %broadcast_in_dim3A_26 = vector.broadcast %mul3A_24 : i32 to vector<16xi32>
    %scan3A = arith.constant 0 : i32
    %scan3A_27 = arith.constant 0 : i32
    %scan3A_28 = arith.constant 256 : i32
    %scan3A_29 = arith.addi %scan3A_27, %scan3A_28 : i32
    %scan3A_30 = arith.constant 1 : i32
    %scan3A_31 = scf.for %scan3A_176 = %scan3A_27 to %scan3A_29 step %scan3A_30 iter_args(%scan3A_177 = %scan3A) -> (i32)  : i32 {
      %mul3A_178 = arith.constant 16 : i32
      %mul3A_179 = arith.muli %scan3A_176, %mul3A_178 : i32
      %get3A_180 = arith.index_cast %mul3A_179 : i32 to index
      %get3A_181 = tpu.vector_load %arg12[%get3A_180] {strides = array<i32>} : memref<4096xf32, #tpu.memory_space<vmem>>, vector<16xf32>,
      %get3A_182 = arith.index_cast %mul3A_179 : i32 to index
      %get3A_183 = tpu.vector_load %arg13[%get3A_182] {strides = array<i32>} : memref<4096xf32, #tpu.memory_space<vmem>>, vector<16xf32>,
      %get3A_184 = arith.index_cast %mul3A_179 : i32 to index
      %get3A_185 = tpu.vector_load %arg14[%get3A_184] {strides = array<i32>} : memref<4096xf32, #tpu.memory_space<vmem>>, vector<16xf32>,
      %mul3A_186 = arith.mulf %get3A_181, %get3A_181 : vector<16xf32>
      %mul3A_187 = arith.mulf %get3A_183, %get3A_183 : vector<16xf32>
      %add3A_188 = arith.addf %mul3A_186, %mul3A_187 : vector<16xf32>
      %mul3A_189 = arith.mulf %get3A_185, %get3A_185 : vector<16xf32>
      %add3A_190 = arith.addf %add3A_188, %mul3A_189 : vector<16xf32>
      %swap3A_191 = arith.index_cast %mul3A_179 : i32 to index
      %swap3A_192 = tpu.vector_load %arg15[%swap3A_191] {strides = array<i32>} : memref<4096xf32, #tpu.memory_space<vmem>>, vector<16xf32>,
      tpu.vector_store %arg15[%swap3A_191], %add3A_190 {strides = array<i32>} : memref<4096xf32, #tpu.memory_space<vmem>>, vector<16xf32>,
      %bitcast3A = vector.bitcast %get3A_181 : vector<16xf32> to vector<16xi32>
      %add3A_193 = arith.constant 32767 : i32
      %add3A_194 = vector.broadcast %add3A_193 : i32 to vector<16xi32>
      %add3A_195 = arith.addi %bitcast3A, %add3A_194 : vector<16xi32>
      %shift_right_arithmetic3A = arith.constant 16 : i32
      %shift_right_arithmetic3A_196 = vector.broadcast %shift_right_arithmetic3A : i32 to vector<16xi32>
      %shift_right_arithmetic3A_197 = arith.shrsi %bitcast3A, %shift_right_arithmetic3A_196 : vector<16xi32>
      %and3A_198 = arith.constant 1 : i32
      %and3A_199 = vector.broadcast %and3A_198 : i32 to vector<16xi32>
      %and3A_200 = arith.andi %shift_right_arithmetic3A_197, %and3A_199 : vector<16xi32>
      %add3A_201 = arith.addi %add3A_195, %and3A_200 : vector<16xi32>
      %and3A_202 = arith.constant -65536 : i32
      %and3A_203 = vector.broadcast %and3A_202 : i32 to vector<16xi32>
      %and3A_204 = arith.andi %add3A_201, %and3A_203 : vector<16xi32>
      %bitcast3A_205 = vector.bitcast %and3A_204 : vector<16xi32> to vector<16xf32>
      %swap3A_206 = arith.index_cast %mul3A_179 : i32 to index
      %swap3A_207 = tpu.vector_load %arg12[%swap3A_206] {strides = array<i32>} : memref<4096xf32, #tpu.memory_space<vmem>>, vector<16xf32>,
      tpu.vector_store %arg12[%swap3A_206], %bitcast3A_205 {strides = array<i32>} : memref<4096xf32, #tpu.memory_space<vmem>>, vector<16xf32>,
      %bitcast3A_208 = vector.bitcast %get3A_183 : vector<16xf32> to vector<16xi32>
      %add3A_209 = arith.constant 32767 : i32
      %add3A_210 = vector.broadcast %add3A_209 : i32 to vector<16xi32>
      %add3A_211 = arith.addi %bitcast3A_208, %add3A_210 : vector<16xi32>
      %shift_right_arithmetic3A_212 = arith.constant 16 : i32
      %shift_right_arithmetic3A_213 = vector.broadcast %shift_right_arithmetic3A_212 : i32 to vector<16xi32>
      %shift_right_arithmetic3A_214 = arith.shrsi %bitcast3A_208, %shift_right_arithmetic3A_213 : vector<16xi32>
      %and3A_215 = arith.constant 1 : i32
      %and3A_216 = vector.broadcast %and3A_215 : i32 to vector<16xi32>
      %and3A_217 = arith.andi %shift_right_arithmetic3A_214, %and3A_216 : vector<16xi32>
      %add3A_218 = arith.addi %add3A_211, %and3A_217 : vector<16xi32>
      %and3A_219 = arith.constant -65536 : i32
      %and3A_220 = vector.broadcast %and3A_219 : i32 to vector<16xi32>
      %and3A_221 = arith.andi %add3A_218, %and3A_220 : vector<16xi32>
      %bitcast3A_222 = vector.bitcast %and3A_221 : vector<16xi32> to vector<16xf32>
      %swap3A_223 = arith.index_cast %mul3A_179 : i32 to index
      %swap3A_224 = tpu.vector_load %arg13[%swap3A_223] {strides = array<i32>} : memref<4096xf32, #tpu.memory_space<vmem>>, vector<16xf32>,
      tpu.vector_store %arg13[%swap3A_223], %bitcast3A_222 {strides = array<i32>} : memref<4096xf32, #tpu.memory_space<vmem>>, vector<16xf32>,
      %bitcast3A_225 = vector.bitcast %get3A_185 : vector<16xf32> to vector<16xi32>
      %add3A_226 = arith.constant 32767 : i32
      %add3A_227 = vector.broadcast %add3A_226 : i32 to vector<16xi32>
      %add3A_228 = arith.addi %bitcast3A_225, %add3A_227 : vector<16xi32>
      %shift_right_arithmetic3A_229 = arith.constant 16 : i32
      %shift_right_arithmetic3A_230 = vector.broadcast %shift_right_arithmetic3A_229 : i32 to vector<16xi32>
      %shift_right_arithmetic3A_231 = arith.shrsi %bitcast3A_225, %shift_right_arithmetic3A_230 : vector<16xi32>
      %and3A_232 = arith.constant 1 : i32
      %and3A_233 = vector.broadcast %and3A_232 : i32 to vector<16xi32>
      %and3A_234 = arith.andi %shift_right_arithmetic3A_231, %and3A_233 : vector<16xi32>
      %add3A_235 = arith.addi %add3A_228, %and3A_234 : vector<16xi32>
      %and3A_236 = arith.constant -65536 : i32
      %and3A_237 = vector.broadcast %and3A_236 : i32 to vector<16xi32>
      %and3A_238 = arith.andi %add3A_235, %and3A_237 : vector<16xi32>
      %bitcast3A_239 = vector.bitcast %and3A_238 : vector<16xi32> to vector<16xf32>
      %swap3A_240 = arith.index_cast %mul3A_179 : i32 to index
      %swap3A_241 = tpu.vector_load %arg14[%swap3A_240] {strides = array<i32>} : memref<4096xf32, #tpu.memory_space<vmem>>, vector<16xf32>,
      tpu.vector_store %arg14[%swap3A_240], %bitcast3A_239 {strides = array<i32>} : memref<4096xf32, #tpu.memory_space<vmem>>, vector<16xf32>,
      %scan3A_242 = arith.constant 0 : i32
      scf.yield %scan3A_242 : i32
    }
    %scan3A_32 = arith.constant 256 : i32
    %get3A = arith.constant 0 : index
    %get3A_33 = tpu.vector_load %arg23[%get3A] {strides = array<i32>} : memref<88xi32, #tpu.memory_space<vmem>>, vector<16xi32>,
    %max3A = arith.constant 0 : i32
    %max3A_34 = vector.broadcast %max3A : i32 to vector<16xi32>
    %max3A_35 = arith.maxsi %get3A_33, %max3A_34 : vector<16xi32>
    %min3A = arith.constant 511 : i32
    %min3A_36 = vector.broadcast %min3A : i32 to vector<16xi32>
    %min3A_37 = arith.minsi %max3A_35, %min3A_36 : vector<16xi32>
    %mul3A_38 = arith.constant 8 : i32
    %mul3A_39 = vector.broadcast %mul3A_38 : i32 to vector<16xi32>
    %mul3A_40 = arith.muli %min3A_37, %mul3A_39 : vector<16xi32>
    %gather3A = tpu.vector_load_idx %arg16[%mul3A_40] : memref<4096xf32, #tpu.memory_space<vmem>>[vector<16xi32>], vector<16xf32>,
    %swap3A = arith.constant 0 : index
    %swap3A_41 = tpu.vector_load %arg24[%swap3A] {strides = array<i32>} : memref<88xf32, #tpu.memory_space<vmem>>, vector<16xf32>,
    tpu.vector_store %arg24[%swap3A], %gather3A {strides = array<i32>} : memref<88xf32, #tpu.memory_space<vmem>>, vector<16xf32>,
    %add3A_42 = arith.constant 1 : i32
    %add3A_43 = vector.broadcast %add3A_42 : i32 to vector<16xi32>
    %add3A_44 = arith.addi %mul3A_40, %add3A_43 : vector<16xi32>
    %gather3A_45 = tpu.vector_load_idx %arg16[%add3A_44] : memref<4096xf32, #tpu.memory_space<vmem>>[vector<16xi32>], vector<16xf32>,
    %swap3A_46 = arith.constant 0 : index
    %swap3A_47 = tpu.vector_load %arg25[%swap3A_46] {strides = array<i32>} : memref<88xf32, #tpu.memory_space<vmem>>, vector<16xf32>,
    tpu.vector_store %arg25[%swap3A_46], %gather3A_45 {strides = array<i32>} : memref<88xf32, #tpu.memory_space<vmem>>, vector<16xf32>,
    %add3A_48 = arith.constant 2 : i32
    %add3A_49 = vector.broadcast %add3A_48 : i32 to vector<16xi32>
    %add3A_50 = arith.addi %mul3A_40, %add3A_49 : vector<16xi32>
    %gather3A_51 = tpu.vector_load_idx %arg16[%add3A_50] : memref<4096xf32, #tpu.memory_space<vmem>>[vector<16xi32>], vector<16xf32>,
    %swap3A_52 = arith.constant 0 : index
    %swap3A_53 = tpu.vector_load %arg26[%swap3A_52] {strides = array<i32>} : memref<88xf32, #tpu.memory_space<vmem>>, vector<16xf32>,
    tpu.vector_store %arg26[%swap3A_52], %gather3A_51 {strides = array<i32>} : memref<88xf32, #tpu.memory_space<vmem>>, vector<16xf32>,
    %get3A_54 = arith.constant 16 : index
    %get3A_55 = tpu.vector_load %arg23[%get3A_54] {strides = array<i32>} : memref<88xi32, #tpu.memory_space<vmem>>, vector<16xi32>,
    %max3A_56 = arith.constant 0 : i32
    %max3A_57 = vector.broadcast %max3A_56 : i32 to vector<16xi32>
    %max3A_58 = arith.maxsi %get3A_55, %max3A_57 : vector<16xi32>
    %min3A_59 = arith.constant 511 : i32
    %min3A_60 = vector.broadcast %min3A_59 : i32 to vector<16xi32>
    %min3A_61 = arith.minsi %max3A_58, %min3A_60 : vector<16xi32>
    %mul3A_62 = arith.constant 8 : i32
    %mul3A_63 = vector.broadcast %mul3A_62 : i32 to vector<16xi32>
    %mul3A_64 = arith.muli %min3A_61, %mul3A_63 : vector<16xi32>
    %gather3A_65 = tpu.vector_load_idx %arg16[%mul3A_64] : memref<4096xf32, #tpu.memory_space<vmem>>[vector<16xi32>], vector<16xf32>,
    %swap3A_66 = arith.constant 16 : index
    %swap3A_67 = tpu.vector_load %arg24[%swap3A_66] {strides = array<i32>} : memref<88xf32, #tpu.memory_space<vmem>>, vector<16xf32>,
    tpu.vector_store %arg24[%swap3A_66], %gather3A_65 {strides = array<i32>} : memref<88xf32, #tpu.memory_space<vmem>>, vector<16xf32>,
    %add3A_68 = arith.constant 1 : i32
    %add3A_69 = vector.broadcast %add3A_68 : i32 to vector<16xi32>
    %add3A_70 = arith.addi %mul3A_64, %add3A_69 : vector<16xi32>
    %gather3A_71 = tpu.vector_load_idx %arg16[%add3A_70] : memref<4096xf32, #tpu.memory_space<vmem>>[vector<16xi32>], vector<16xf32>,
    %swap3A_72 = arith.constant 16 : index
    %swap3A_73 = tpu.vector_load %arg25[%swap3A_72] {strides = array<i32>} : memref<88xf32, #tpu.memory_space<vmem>>, vector<16xf32>,
    tpu.vector_store %arg25[%swap3A_72], %gather3A_71 {strides = array<i32>} : memref<88xf32, #tpu.memory_space<vmem>>, vector<16xf32>,
    %add3A_74 = arith.constant 2 : i32
    %add3A_75 = vector.broadcast %add3A_74 : i32 to vector<16xi32>
    %add3A_76 = arith.addi %mul3A_64, %add3A_75 : vector<16xi32>
    %gather3A_77 = tpu.vector_load_idx %arg16[%add3A_76] : memref<4096xf32, #tpu.memory_space<vmem>>[vector<16xi32>], vector<16xf32>,
    %swap3A_78 = arith.constant 16 : index
    %swap3A_79 = tpu.vector_load %arg26[%swap3A_78] {strides = array<i32>} : memref<88xf32, #tpu.memory_space<vmem>>, vector<16xf32>,
    tpu.vector_store %arg26[%swap3A_78], %gather3A_77 {strides = array<i32>} : memref<88xf32, #tpu.memory_space<vmem>>, vector<16xf32>,
    %get3A_80 = arith.constant 32 : index
    %get3A_81 = tpu.vector_load %arg23[%get3A_80] {strides = array<i32>} : memref<88xi32, #tpu.memory_space<vmem>>, vector<16xi32>,
    %max3A_82 = arith.constant 0 : i32
    %max3A_83 = vector.broadcast %max3A_82 : i32 to vector<16xi32>
    %max3A_84 = arith.maxsi %get3A_81, %max3A_83 : vector<16xi32>
    %min3A_85 = arith.constant 511 : i32
    %min3A_86 = vector.broadcast %min3A_85 : i32 to vector<16xi32>
    %min3A_87 = arith.minsi %max3A_84, %min3A_86 : vector<16xi32>
    %mul3A_88 = arith.constant 8 : i32
    %mul3A_89 = vector.broadcast %mul3A_88 : i32 to vector<16xi32>
    %mul3A_90 = arith.muli %min3A_87, %mul3A_89 : vector<16xi32>
    %gather3A_91 = tpu.vector_load_idx %arg16[%mul3A_90] : memref<4096xf32, #tpu.memory_space<vmem>>[vector<16xi32>], vector<16xf32>,
    %swap3A_92 = arith.constant 32 : index
    %swap3A_93 = tpu.vector_load %arg24[%swap3A_92] {strides = array<i32>} : memref<88xf32, #tpu.memory_space<vmem>>, vector<16xf32>,
    tpu.vector_store %arg24[%swap3A_92], %gather3A_91 {strides = array<i32>} : memref<88xf32, #tpu.memory_space<vmem>>, vector<16xf32>,
    %add3A_94 = arith.constant 1 : i32
    %add3A_95 = vector.broadcast %add3A_94 : i32 to vector<16xi32>
    %add3A_96 = arith.addi %mul3A_90, %add3A_95 : vector<16xi32>
    %gather3A_97 = tpu.vector_load_idx %arg16[%add3A_96] : memref<4096xf32, #tpu.memory_space<vmem>>[vector<16xi32>], vector<16xf32>,
    %swap3A_98 = arith.constant 32 : index
    %swap3A_99 = tpu.vector_load %arg25[%swap3A_98] {strides = array<i32>} : memref<88xf32, #tpu.memory_space<vmem>>, vector<16xf32>,
    tpu.vector_store %arg25[%swap3A_98], %gather3A_97 {strides = array<i32>} : memref<88xf32, #tpu.memory_space<vmem>>, vector<16xf32>,
    %add3A_100 = arith.constant 2 : i32
    %add3A_101 = vector.broadcast %add3A_100 : i32 to vector<16xi32>
    %add3A_102 = arith.addi %mul3A_90, %add3A_101 : vector<16xi32>
    %gather3A_103 = tpu.vector_load_idx %arg16[%add3A_102] : memref<4096xf32, #tpu.memory_space<vmem>>[vector<16xi32>], vector<16xf32>,
    %swap3A_104 = arith.constant 32 : index
    %swap3A_105 = tpu.vector_load %arg26[%swap3A_104] {strides = array<i32>} : memref<88xf32, #tpu.memory_space<vmem>>, vector<16xf32>,
    tpu.vector_store %arg26[%swap3A_104], %gather3A_103 {strides = array<i32>} : memref<88xf32, #tpu.memory_space<vmem>>, vector<16xf32>,
    %get3A_106 = arith.constant 48 : index
    %get3A_107 = tpu.vector_load %arg23[%get3A_106] {strides = array<i32>} : memref<88xi32, #tpu.memory_space<vmem>>, vector<16xi32>,
    %max3A_108 = arith.constant 0 : i32
    %max3A_109 = vector.broadcast %max3A_108 : i32 to vector<16xi32>
    %max3A_110 = arith.maxsi %get3A_107, %max3A_109 : vector<16xi32>
    %min3A_111 = arith.constant 511 : i32
    %min3A_112 = vector.broadcast %min3A_111 : i32 to vector<16xi32>
    %min3A_113 = arith.minsi %max3A_110, %min3A_112 : vector<16xi32>
    %mul3A_114 = arith.constant 8 : i32
    %mul3A_115 = vector.broadcast %mul3A_114 : i32 to vector<16xi32>
    %mul3A_116 = arith.muli %min3A_113, %mul3A_115 : vector<16xi32>
    %gather3A_117 = tpu.vector_load_idx %arg16[%mul3A_116] : memref<4096xf32, #tpu.memory_space<vmem>>[vector<16xi32>], vector<16xf32>,
    %swap3A_118 = arith.constant 48 : index
    %swap3A_119 = tpu.vector_load %arg24[%swap3A_118] {strides = array<i32>} : memref<88xf32, #tpu.memory_space<vmem>>, vector<16xf32>,
    tpu.vector_store %arg24[%swap3A_118], %gather3A_117 {strides = array<i32>} : memref<88xf32, #tpu.memory_space<vmem>>, vector<16xf32>,
    %add3A_120 = arith.constant 1 : i32
    %add3A_121 = vector.broadcast %add3A_120 : i32 to vector<16xi32>
    %add3A_122 = arith.addi %mul3A_116, %add3A_121 : vector<16xi32>
    %gather3A_123 = tpu.vector_load_idx %arg16[%add3A_122] : memref<4096xf32, #tpu.memory_space<vmem>>[vector<16xi32>], vector<16xf32>,
    %swap3A_124 = arith.constant 48 : index
    %swap3A_125 = tpu.vector_load %arg25[%swap3A_124] {strides = array<i32>} : memref<88xf32, #tpu.memory_space<vmem>>, vector<16xf32>,
    tpu.vector_store %arg25[%swap3A_124], %gather3A_123 {strides = array<i32>} : memref<88xf32, #tpu.memory_space<vmem>>, vector<16xf32>,
    %add3A_126 = arith.constant 2 : i32
    %add3A_127 = vector.broadcast %add3A_126 : i32 to vector<16xi32>
    %add3A_128 = arith.addi %mul3A_116, %add3A_127 : vector<16xi32>
    %gather3A_129 = tpu.vector_load_idx %arg16[%add3A_128] : memref<4096xf32, #tpu.memory_space<vmem>>[vector<16xi32>], vector<16xf32>,
    %swap3A_130 = arith.constant 48 : index
    %swap3A_131 = tpu.vector_load %arg26[%swap3A_130] {strides = array<i32>} : memref<88xf32, #tpu.memory_space<vmem>>, vector<16xf32>,
    tpu.vector_store %arg26[%swap3A_130], %gather3A_129 {strides = array<i32>} : memref<88xf32, #tpu.memory_space<vmem>>, vector<16xf32>,
    %get3A_132 = arith.constant 64 : index
    %get3A_133 = tpu.vector_load %arg23[%get3A_132] {strides = array<i32>} : memref<88xi32, #tpu.memory_space<vmem>>, vector<16xi32>,
    %max3A_134 = arith.constant 0 : i32
    %max3A_135 = vector.broadcast %max3A_134 : i32 to vector<16xi32>
    %max3A_136 = arith.maxsi %get3A_133, %max3A_135 : vector<16xi32>
    %min3A_137 = arith.constant 511 : i32
    %min3A_138 = vector.broadcast %min3A_137 : i32 to vector<16xi32>
    %min3A_139 = arith.minsi %max3A_136, %min3A_138 : vector<16xi32>
    %mul3A_140 = arith.constant 8 : i32
    %mul3A_141 = vector.broadcast %mul3A_140 : i32 to vector<16xi32>
    %mul3A_142 = arith.muli %min3A_139, %mul3A_141 : vector<16xi32>
    %gather3A_143 = tpu.vector_load_idx %arg16[%mul3A_142] : memref<4096xf32, #tpu.memory_space<vmem>>[vector<16xi32>], vector<16xf32>,
    %swap3A_144 = arith.constant 64 : index
    %swap3A_145 = tpu.vector_load %arg24[%swap3A_144] {strides = array<i32>} : memref<88xf32, #tpu.memory_space<vmem>>, vector<16xf32>,
    tpu.vector_store %arg24[%swap3A_144], %gather3A_143 {strides = array<i32>} : memref<88xf32, #tpu.memory_space<vmem>>, vector<16xf32>,
    %add3A_146 = arith.constant 1 : i32
    %add3A_147 = vector.broadcast %add3A_146 : i32 to vector<16xi32>
    %add3A_148 = arith.addi %mul3A_142, %add3A_147 : vector<16xi32>
    %gather3A_149 = tpu.vector_load_idx %arg16[%add3A_148] : memref<4096xf32, #tpu.memory_space<vmem>>[vector<16xi32>], vector<16xf32>,
    %swap3A_150 = arith.constant 64 : index
    %swap3A_151 = tpu.vector_load %arg25[%swap3A_150] {strides = array<i32>} : memref<88xf32, #tpu.memory_space<vmem>>, vector<16xf32>,
    tpu.vector_store %arg25[%swap3A_150], %gather3A_149 {strides = array<i32>} : memref<88xf32, #tpu.memory_space<vmem>>, vector<16xf32>,
    %add3A_152 = arith.constant 2 : i32
    %add3A_153 = vector.broadcast %add3A_152 : i32 to vector<16xi32>
    %add3A_154 = arith.addi %mul3A_142, %add3A_153 : vector<16xi32>
    %gather3A_155 = tpu.vector_load_idx %arg16[%add3A_154] : memref<4096xf32, #tpu.memory_space<vmem>>[vector<16xi32>], vector<16xf32>,
    %swap3A_156 = arith.constant 64 : index
    %swap3A_157 = tpu.vector_load %arg26[%swap3A_156] {strides = array<i32>} : memref<88xf32, #tpu.memory_space<vmem>>, vector<16xf32>,
    tpu.vector_store %arg26[%swap3A_156], %gather3A_155 {strides = array<i32>} : memref<88xf32, #tpu.memory_space<vmem>>, vector<16xf32>,
    %scan3A_158 = arith.constant 0 : i32
    %scan3A_159 = arith.constant 0 : i32
    %scan3A_160 = arith.constant 72 : i32
    %scan3A_161 = arith.addi %scan3A_159, %scan3A_160 : i32
    %scan3A_162 = arith.constant 1 : i32
    %scan3A_163 = scf.for %scan3A_176 = %scan3A_159 to %scan3A_161 step %scan3A_162 iter_args(%scan3A_177 = %scan3A_158) -> (i32)  : i32 {
      %broadcast_in_dim3A_178 = vector.broadcast %scan3A_176 : i32 to vector<16xi32>
      %gather3A_179 = tpu.vector_load_idx %arg24[%broadcast_in_dim3A_178] : memref<88xf32, #tpu.memory_space<vmem>>[vector<16xi32>], vector<16xf32>,
      %gather3A_180 = tpu.vector_load_idx %arg25[%broadcast_in_dim3A_178] : memref<88xf32, #tpu.memory_space<vmem>>[vector<16xi32>], vector<16xf32>,
      %gather3A_181 = tpu.vector_load_idx %arg26[%broadcast_in_dim3A_178] : memref<88xf32, #tpu.memory_space<vmem>>[vector<16xi32>], vector<16xf32>,
      %mul3A_182 = arith.mulf %gather3A_179, %gather3A_179 : vector<16xf32>
      %mul3A_183 = arith.mulf %gather3A_180, %gather3A_180 : vector<16xf32>
      %add3A_184 = arith.addf %mul3A_182, %mul3A_183 : vector<16xf32>
      %mul3A_185 = arith.mulf %gather3A_181, %gather3A_181 : vector<16xf32>
      %add3A_186 = arith.addf %add3A_184, %mul3A_185 : vector<16xf32>
      %bitcast3A = vector.bitcast %gather3A_179 : vector<16xf32> to vector<16xi32>
      %add3A_187 = arith.constant 32767 : i32
      %add3A_188 = vector.broadcast %add3A_187 : i32 to vector<16xi32>
      %add3A_189 = arith.addi %bitcast3A, %add3A_188 : vector<16xi32>
      %shift_right_arithmetic3A = arith.constant 16 : i32
      %shift_right_arithmetic3A_190 = vector.broadcast %shift_right_arithmetic3A : i32 to vector<16xi32>
      %shift_right_arithmetic3A_191 = arith.shrsi %bitcast3A, %shift_right_arithmetic3A_190 : vector<16xi32>
      %and3A_192 = arith.constant 1 : i32
      %and3A_193 = vector.broadcast %and3A_192 : i32 to vector<16xi32>
      %and3A_194 = arith.andi %shift_right_arithmetic3A_191, %and3A_193 : vector<16xi32>
      %add3A_195 = arith.addi %add3A_189, %and3A_194 : vector<16xi32>
      %and3A_196 = arith.constant -65536 : i32
      %and3A_197 = vector.broadcast %and3A_196 : i32 to vector<16xi32>
      %and3A_198 = arith.andi %add3A_195, %and3A_197 : vector<16xi32>
      %bitcast3A_199 = vector.bitcast %and3A_198 : vector<16xi32> to vector<16xf32>
      %bitcast3A_200 = vector.bitcast %gather3A_180 : vector<16xf32> to vector<16xi32>
      %add3A_201 = arith.constant 32767 : i32
      %add3A_202 = vector.broadcast %add3A_201 : i32 to vector<16xi32>
      %add3A_203 = arith.addi %bitcast3A_200, %add3A_202 : vector<16xi32>
      %shift_right_arithmetic3A_204 = arith.constant 16 : i32
      %shift_right_arithmetic3A_205 = vector.broadcast %shift_right_arithmetic3A_204 : i32 to vector<16xi32>
      %shift_right_arithmetic3A_206 = arith.shrsi %bitcast3A_200, %shift_right_arithmetic3A_205 : vector<16xi32>
      %and3A_207 = arith.constant 1 : i32
      %and3A_208 = vector.broadcast %and3A_207 : i32 to vector<16xi32>
      %and3A_209 = arith.andi %shift_right_arithmetic3A_206, %and3A_208 : vector<16xi32>
      %add3A_210 = arith.addi %add3A_203, %and3A_209 : vector<16xi32>
      %and3A_211 = arith.constant -65536 : i32
      %and3A_212 = vector.broadcast %and3A_211 : i32 to vector<16xi32>
      %and3A_213 = arith.andi %add3A_210, %and3A_212 : vector<16xi32>
      %bitcast3A_214 = vector.bitcast %and3A_213 : vector<16xi32> to vector<16xf32>
      %bitcast3A_215 = vector.bitcast %gather3A_181 : vector<16xf32> to vector<16xi32>
      %add3A_216 = arith.constant 32767 : i32
      %add3A_217 = vector.broadcast %add3A_216 : i32 to vector<16xi32>
      %add3A_218 = arith.addi %bitcast3A_215, %add3A_217 : vector<16xi32>
      %shift_right_arithmetic3A_219 = arith.constant 16 : i32
      %shift_right_arithmetic3A_220 = vector.broadcast %shift_right_arithmetic3A_219 : i32 to vector<16xi32>
      %shift_right_arithmetic3A_221 = arith.shrsi %bitcast3A_215, %shift_right_arithmetic3A_220 : vector<16xi32>
      %and3A_222 = arith.constant 1 : i32
      %and3A_223 = vector.broadcast %and3A_222 : i32 to vector<16xi32>
      %and3A_224 = arith.andi %shift_right_arithmetic3A_221, %and3A_223 : vector<16xi32>
      %add3A_225 = arith.addi %add3A_218, %and3A_224 : vector<16xi32>
      %and3A_226 = arith.constant -65536 : i32
      %and3A_227 = vector.broadcast %and3A_226 : i32 to vector<16xi32>
      %and3A_228 = arith.andi %add3A_225, %and3A_227 : vector<16xi32>
      %bitcast3A_229 = vector.bitcast %and3A_228 : vector<16xi32> to vector<16xf32>
      %mul3A_230 = arith.constant 16 : i32
      %mul3A_231 = arith.muli %scan3A_176, %mul3A_230 : i32
      %mul3A_232 = arith.constant 32 : i32
      %mul3A_233 = arith.muli %scan3A_176, %mul3A_232 : i32
      %mul3A_234 = arith.constant 64 : i32
      %mul3A_235 = arith.muli %scan3A_176, %mul3A_234 : i32
      %scan3A_236 = arith.constant 0 : i32
      %scan3A_237 = arith.constant 256 : i32
      %scan3A_238 = arith.addi %scan3A_236, %scan3A_237 : i32
      %scan3A_239 = arith.constant 4 : i32
      %scan3A_240:3 = scf.for %scan3A_359 = %scan3A_236 to %scan3A_238 step %scan3A_239 iter_args(%scan3A_360 = %broadcast_in_dim3A_25, %scan3A_361 = %broadcast_in_dim3A_25, %scan3A_362 = %broadcast_in_dim3A_25) -> (vector<16xi32>, vector<16xi32>, vector<16xi32>)  : i32 {
        %mul3A_363 = arith.constant 16 : i32
        %mul3A_364 = arith.muli %scan3A_359, %mul3A_363 : i32
        %get3A_365 = arith.index_cast %mul3A_364 : i32 to index
        %get3A_366 = tpu.vector_load %arg12[%get3A_365] {strides = array<i32>} : memref<4096xf32, #tpu.memory_space<vmem>>, vector<16xf32>,
        %mul3A_367 = arith.mulf %bitcast3A_199, %get3A_366 : vector<16xf32>
        %get3A_368 = arith.index_cast %mul3A_364 : i32 to index
        %get3A_369 = tpu.vector_load %arg13[%get3A_368] {strides = array<i32>} : memref<4096xf32, #tpu.memory_space<vmem>>, vector<16xf32>,
        %mul3A_370 = arith.mulf %bitcast3A_214, %get3A_369 : vector<16xf32>
        %add3A_371 = arith.addf %mul3A_367, %mul3A_370 : vector<16xf32>
        %get3A_372 = arith.index_cast %mul3A_364 : i32 to index
        %get3A_373 = tpu.vector_load %arg14[%get3A_372] {strides = array<i32>} : memref<4096xf32, #tpu.memory_space<vmem>>, vector<16xf32>,
        %mul3A_374 = arith.mulf %bitcast3A_229, %get3A_373 : vector<16xf32>
        %add3A_375 = arith.addf %add3A_371, %mul3A_374 : vector<16xf32>
        %get3A_376 = arith.index_cast %mul3A_364 : i32 to index
        %get3A_377 = tpu.vector_load %arg15[%get3A_376] {strides = array<i32>} : memref<4096xf32, #tpu.memory_space<vmem>>, vector<16xf32>,
        %add3A_378 = arith.addf %add3A_186, %get3A_377 : vector<16xf32>
        %mul3A_379 = arith.constant 2.000000e+00 : f32
        %mul3A_380 = vector.broadcast %mul3A_379 : f32 to vector<16xf32>
        %mul3A_381 = arith.mulf %mul3A_380, %add3A_375 : vector<16xf32>
        %sub3A_382 = arith.subf %add3A_378, %mul3A_381 : vector<16xf32>
        %mul3A_383 = arith.constant 16 : i32
        %mul3A_384 = arith.muli %scan3A_359, %mul3A_383 : i32
        %add3A_385 = arith.addi %mul3A_384, %mul3A_24 : i32
        %add3A_386 = vector.broadcast %add3A_385 : i32 to vector<16xi32>
        %add3A_387 = arith.addi %iota3A, %add3A_386 : vector<16xi32>
        %le3A = arith.constant 4.000000e-02 : f32
        %le3A_388 = vector.broadcast %le3A : f32 to vector<16xf32>
        %le3A_389 = arith.cmpf ole, %sub3A_382, %le3A_388 : vector<16xf32>
        %convert_element_type3A = arith.extui %le3A_389 : vector<16xi1> to vector<16xi32>
        %broadcast_in_dim3A_390 = arith.constant true
        %broadcast_in_dim3A_391 = vector.broadcast %broadcast_in_dim3A_390 : i1 to vector<16xi1>
        %masked_cumsum3A = tpu.scan <sum>, %convert_element_type3A masked %broadcast_in_dim3A_391 : vector<16xi32>, vector<16xi1> -> vector<16xi32>
        %add3A_392 = arith.addi %scan3A_360, %masked_cumsum3A : vector<16xi32>
        %sub3A_393 = arith.constant 1 : i32
        %sub3A_394 = vector.broadcast %sub3A_393 : i32 to vector<16xi32>
        %sub3A_395 = arith.subi %add3A_392, %sub3A_394 : vector<16xi32>
        %lt3A_396 = arith.constant 16 : i32
        %lt3A_397 = vector.broadcast %lt3A_396 : i32 to vector<16xi32>
        %lt3A_398 = arith.cmpi slt, %sub3A_395, %lt3A_397 : vector<16xi32>
        %and3A_399 = arith.andi %le3A_389, %lt3A_398 : vector<16xi1>
        %min3A_400 = arith.constant 15 : i32
        %min3A_401 = vector.broadcast %min3A_400 : i32 to vector<16xi32>
        %min3A_402 = arith.minsi %sub3A_395, %min3A_401 : vector<16xi32>
        %scatter3A = tpu.memref_slice %arg17[%mul3A_231] : memref<1152xi32, #tpu.memory_space<vmem>> -> memref<16xi32, #tpu.memory_space<vmem>>
        tpu.vector_store_idx %scatter3A[%min3A_402], %add3A_387 masked %and3A_399 : memref<16xi32, #tpu.memory_space<vmem>>[vector<16xi32>], vector<16xi32>, vector<16xi1>
        %all_reduce_population_count3A = tpu.all_reduce %le3A_389 {dim = 0 : i64, kind = #tpu.reduction_kind<sum>} : vector<16xi1> -> vector<16xi32>
        %add3A_403 = arith.addi %scan3A_360, %all_reduce_population_count3A : vector<16xi32>
        %min3A_404 = arith.constant 16 : i32
        %min3A_405 = vector.broadcast %min3A_404 : i32 to vector<16xi32>
        %min3A_406 = arith.minsi %add3A_403, %min3A_405 : vector<16xi32>
        %le3A_407 = arith.constant 1.600000e-01 : f32
        %le3A_408 = vector.broadcast %le3A_407 : f32 to vector<16xf32>
        %le3A_409 = arith.cmpf ole, %sub3A_382, %le3A_408 : vector<16xf32>
        %convert_element_type3A_410 = arith.extui %le3A_409 : vector<16xi1> to vector<16xi32>
        %broadcast_in_dim3A_411 = arith.constant true
        %broadcast_in_dim3A_412 = vector.broadcast %broadcast_in_dim3A_411 : i1 to vector<16xi1>
        %masked_cumsum3A_413 = tpu.scan <sum>, %convert_element_type3A_410 masked %broadcast_in_dim3A_412 : vector<16xi32>, vector<16xi1> -> vector<16xi32>
        %add3A_414 = arith.addi %scan3A_361, %masked_cumsum3A_413 : vector<16xi32>
        %sub3A_415 = arith.constant 1 : i32
        %sub3A_416 = vector.broadcast %sub3A_415 : i32 to vector<16xi32>
        %sub3A_417 = arith.subi %add3A_414, %sub3A_416 : vector<16xi32>
        %lt3A_418 = arith.constant 32 : i32
        %lt3A_419 = vector.broadcast %lt3A_418 : i32 to vector<16xi32>
        %lt3A_420 = arith.cmpi slt, %sub3A_417, %lt3A_419 : vector<16xi32>
        %and3A_421 = arith.andi %le3A_409, %lt3A_420 : vector<16xi1>
        %min3A_422 = arith.constant 31 : i32
        %min3A_423 = vector.broadcast %min3A_422 : i32 to vector<16xi32>
        %min3A_424 = arith.minsi %sub3A_417, %min3A_423 : vector<16xi32>
        %scatter3A_425 = tpu.memref_slice %arg18[%mul3A_233] : memref<2304xi32, #tpu.memory_space<vmem>> -> memref<32xi32, #tpu.memory_space<vmem>>
        tpu.vector_store_idx %scatter3A_425[%min3A_424], %add3A_387 masked %and3A_421 : memref<32xi32, #tpu.memory_space<vmem>>[vector<16xi32>], vector<16xi32>, vector<16xi1>
        %all_reduce_population_count3A_426 = tpu.all_reduce %le3A_409 {dim = 0 : i64, kind = #tpu.reduction_kind<sum>} : vector<16xi1> -> vector<16xi32>
        %add3A_427 = arith.addi %scan3A_361, %all_reduce_population_count3A_426 : vector<16xi32>
        %min3A_428 = arith.constant 32 : i32
        %min3A_429 = vector.broadcast %min3A_428 : i32 to vector<16xi32>
        %min3A_430 = arith.minsi %add3A_427, %min3A_429 : vector<16xi32>
        %le3A_431 = arith.constant 6.400000e-01 : f32
        %le3A_432 = vector.broadcast %le3A_431 : f32 to vector<16xf32>
        %le3A_433 = arith.cmpf ole, %sub3A_382, %le3A_432 : vector<16xf32>
        %convert_element_type3A_434 = arith.extui %le3A_433 : vector<16xi1> to vector<16xi32>
        %broadcast_in_dim3A_435 = arith.constant true
        %broadcast_in_dim3A_436 = vector.broadcast %broadcast_in_dim3A_435 : i1 to vector<16xi1>
        %masked_cumsum3A_437 = tpu.scan <sum>, %convert_element_type3A_434 masked %broadcast_in_dim3A_436 : vector<16xi32>, vector<16xi1> -> vector<16xi32>
        %add3A_438 = arith.addi %scan3A_362, %masked_cumsum3A_437 : vector<16xi32>
        %sub3A_439 = arith.constant 1 : i32
        %sub3A_440 = vector.broadcast %sub3A_439 : i32 to vector<16xi32>
        %sub3A_441 = arith.subi %add3A_438, %sub3A_440 : vector<16xi32>
        %lt3A_442 = arith.constant 64 : i32
        %lt3A_443 = vector.broadcast %lt3A_442 : i32 to vector<16xi32>
        %lt3A_444 = arith.cmpi slt, %sub3A_441, %lt3A_443 : vector<16xi32>
        %and3A_445 = arith.andi %le3A_433, %lt3A_444 : vector<16xi1>
        %min3A_446 = arith.constant 63 : i32
        %min3A_447 = vector.broadcast %min3A_446 : i32 to vector<16xi32>
        %min3A_448 = arith.minsi %sub3A_441, %min3A_447 : vector<16xi32>
        %scatter3A_449 = tpu.memref_slice %arg19[%mul3A_235] : memref<4608xi32, #tpu.memory_space<vmem>> -> memref<64xi32, #tpu.memory_space<vmem>>
        tpu.vector_store_idx %scatter3A_449[%min3A_448], %add3A_387 masked %and3A_445 : memref<64xi32, #tpu.memory_space<vmem>>[vector<16xi32>], vector<16xi32>, vector<16xi1>
        %all_reduce_population_count3A_450 = tpu.all_reduce %le3A_433 {dim = 0 : i64, kind = #tpu.reduction_kind<sum>} : vector<16xi1> -> vector<16xi32>
        %add3A_451 = arith.addi %scan3A_362, %all_reduce_population_count3A_450 : vector<16xi32>
        %min3A_452 = arith.constant 64 : i32
        %min3A_453 = vector.broadcast %min3A_452 : i32 to vector<16xi32>
        %min3A_454 = arith.minsi %add3A_451, %min3A_453 : vector<16xi32>
        %scan3A_455 = arith.constant 1 : i32
        %scan3A_456 = arith.addi %scan3A_359, %scan3A_455 : i32
        %mul3A_457 = arith.constant 16 : i32
        %mul3A_458 = arith.muli %scan3A_456, %mul3A_457 : i32
        %get3A_459 = arith.index_cast %mul3A_458 : i32 to index
        %get3A_460 = tpu.vector_load %arg12[%get3A_459] {strides = array<i32>} : memref<4096xf32, #tpu.memory_space<vmem>>, vector<16xf32>,
        %mul3A_461 = arith.mulf %bitcast3A_199, %get3A_460 : vector<16xf32>
        %get3A_462 = arith.index_cast %mul3A_458 : i32 to index
        %get3A_463 = tpu.vector_load %arg13[%get3A_462] {strides = array<i32>} : memref<4096xf32, #tpu.memory_space<vmem>>, vector<16xf32>,
        %mul3A_464 = arith.mulf %bitcast3A_214, %get3A_463 : vector<16xf32>
        %add3A_465 = arith.addf %mul3A_461, %mul3A_464 : vector<16xf32>
        %get3A_466 = arith.index_cast %mul3A_458 : i32 to index
        %get3A_467 = tpu.vector_load %arg14[%get3A_466] {strides = array<i32>} : memref<4096xf32, #tpu.memory_space<vmem>>, vector<16xf32>,
        %mul3A_468 = arith.mulf %bitcast3A_229, %get3A_467 : vector<16xf32>
        %add3A_469 = arith.addf %add3A_465, %mul3A_468 : vector<16xf32>
        %get3A_470 = arith.index_cast %mul3A_458 : i32 to index
        %get3A_471 = tpu.vector_load %arg15[%get3A_470] {strides = array<i32>} : memref<4096xf32, #tpu.memory_space<vmem>>, vector<16xf32>,
        %add3A_472 = arith.addf %add3A_186, %get3A_471 : vector<16xf32>
        %mul3A_473 = arith.constant 2.000000e+00 : f32
        %mul3A_474 = vector.broadcast %mul3A_473 : f32 to vector<16xf32>
        %mul3A_475 = arith.mulf %mul3A_474, %add3A_469 : vector<16xf32>
        %sub3A_476 = arith.subf %add3A_472, %mul3A_475 : vector<16xf32>
        %mul3A_477 = arith.constant 16 : i32
        %mul3A_478 = arith.muli %scan3A_456, %mul3A_477 : i32
        %add3A_479 = arith.addi %mul3A_478, %mul3A_24 : i32
        %add3A_480 = vector.broadcast %add3A_479 : i32 to vector<16xi32>
        %add3A_481 = arith.addi %iota3A, %add3A_480 : vector<16xi32>
        %le3A_482 = arith.constant 4.000000e-02 : f32
        %le3A_483 = vector.broadcast %le3A_482 : f32 to vector<16xf32>
        %le3A_484 = arith.cmpf ole, %sub3A_476, %le3A_483 : vector<16xf32>
        %convert_element_type3A_485 = arith.extui %le3A_484 : vector<16xi1> to vector<16xi32>
        %broadcast_in_dim3A_486 = arith.constant true
        %broadcast_in_dim3A_487 = vector.broadcast %broadcast_in_dim3A_486 : i1 to vector<16xi1>
        %masked_cumsum3A_488 = tpu.scan <sum>, %convert_element_type3A_485 masked %broadcast_in_dim3A_487 : vector<16xi32>, vector<16xi1> -> vector<16xi32>
        %add3A_489 = arith.addi %min3A_406, %masked_cumsum3A_488 : vector<16xi32>
        %sub3A_490 = arith.constant 1 : i32
        %sub3A_491 = vector.broadcast %sub3A_490 : i32 to vector<16xi32>
        %sub3A_492 = arith.subi %add3A_489, %sub3A_491 : vector<16xi32>
        %lt3A_493 = arith.constant 16 : i32
        %lt3A_494 = vector.broadcast %lt3A_493 : i32 to vector<16xi32>
        %lt3A_495 = arith.cmpi slt, %sub3A_492, %lt3A_494 : vector<16xi32>
        %and3A_496 = arith.andi %le3A_484, %lt3A_495 : vector<16xi1>
        %min3A_497 = arith.constant 15 : i32
        %min3A_498 = vector.broadcast %min3A_497 : i32 to vector<16xi32>
        %min3A_499 = arith.minsi %sub3A_492, %min3A_498 : vector<16xi32>
        %scatter3A_500 = tpu.memref_slice %arg17[%mul3A_231] : memref<1152xi32, #tpu.memory_space<vmem>> -> memref<16xi32, #tpu.memory_space<vmem>>
        tpu.vector_store_idx %scatter3A_500[%min3A_499], %add3A_481 masked %and3A_496 : memref<16xi32, #tpu.memory_space<vmem>>[vector<16xi32>], vector<16xi32>, vector<16xi1>
        %all_reduce_population_count3A_501 = tpu.all_reduce %le3A_484 {dim = 0 : i64, kind = #tpu.reduction_kind<sum>} : vector<16xi1> -> vector<16xi32>
        %add3A_502 = arith.addi %min3A_406, %all_reduce_population_count3A_501 : vector<16xi32>
        %min3A_503 = arith.constant 16 : i32
        %min3A_504 = vector.broadcast %min3A_503 : i32 to vector<16xi32>
        %min3A_505 = arith.minsi %add3A_502, %min3A_504 : vector<16xi32>
        %le3A_506 = arith.constant 1.600000e-01 : f32
        %le3A_507 = vector.broadcast %le3A_506 : f32 to vector<16xf32>
        %le3A_508 = arith.cmpf ole, %sub3A_476, %le3A_507 : vector<16xf32>
        %convert_element_type3A_509 = arith.extui %le3A_508 : vector<16xi1> to vector<16xi32>
        %broadcast_in_dim3A_510 = arith.constant true
        %broadcast_in_dim3A_511 = vector.broadcast %broadcast_in_dim3A_510 : i1 to vector<16xi1>
        %masked_cumsum3A_512 = tpu.scan <sum>, %convert_element_type3A_509 masked %broadcast_in_dim3A_511 : vector<16xi32>, vector<16xi1> -> vector<16xi32>
        %add3A_513 = arith.addi %min3A_430, %masked_cumsum3A_512 : vector<16xi32>
        %sub3A_514 = arith.constant 1 : i32
        %sub3A_515 = vector.broadcast %sub3A_514 : i32 to vector<16xi32>
        %sub3A_516 = arith.subi %add3A_513, %sub3A_515 : vector<16xi32>
        %lt3A_517 = arith.constant 32 : i32
        %lt3A_518 = vector.broadcast %lt3A_517 : i32 to vector<16xi32>
        %lt3A_519 = arith.cmpi slt, %sub3A_516, %lt3A_518 : vector<16xi32>
        %and3A_520 = arith.andi %le3A_508, %lt3A_519 : vector<16xi1>
        %min3A_521 = arith.constant 31 : i32
        %min3A_522 = vector.broadcast %min3A_521 : i32 to vector<16xi32>
        %min3A_523 = arith.minsi %sub3A_516, %min3A_522 : vector<16xi32>
        %scatter3A_524 = tpu.memref_slice %arg18[%mul3A_233] : memref<2304xi32, #tpu.memory_space<vmem>> -> memref<32xi32, #tpu.memory_space<vmem>>
        tpu.vector_store_idx %scatter3A_524[%min3A_523], %add3A_481 masked %and3A_520 : memref<32xi32, #tpu.memory_space<vmem>>[vector<16xi32>], vector<16xi32>, vector<16xi1>
        %all_reduce_population_count3A_525 = tpu.all_reduce %le3A_508 {dim = 0 : i64, kind = #tpu.reduction_kind<sum>} : vector<16xi1> -> vector<16xi32>
        %add3A_526 = arith.addi %min3A_430, %all_reduce_population_count3A_525 : vector<16xi32>
        %min3A_527 = arith.constant 32 : i32
        %min3A_528 = vector.broadcast %min3A_527 : i32 to vector<16xi32>
        %min3A_529 = arith.minsi %add3A_526, %min3A_528 : vector<16xi32>
        %le3A_530 = arith.constant 6.400000e-01 : f32
        %le3A_531 = vector.broadcast %le3A_530 : f32 to vector<16xf32>
        %le3A_532 = arith.cmpf ole, %sub3A_476, %le3A_531 : vector<16xf32>
        %convert_element_type3A_533 = arith.extui %le3A_532 : vector<16xi1> to vector<16xi32>
        %broadcast_in_dim3A_534 = arith.constant true
        %broadcast_in_dim3A_535 = vector.broadcast %broadcast_in_dim3A_534 : i1 to vector<16xi1>
        %masked_cumsum3A_536 = tpu.scan <sum>, %convert_element_type3A_533 masked %broadcast_in_dim3A_535 : vector<16xi32>, vector<16xi1> -> vector<16xi32>
        %add3A_537 = arith.addi %min3A_454, %masked_cumsum3A_536 : vector<16xi32>
        %sub3A_538 = arith.constant 1 : i32
        %sub3A_539 = vector.broadcast %sub3A_538 : i32 to vector<16xi32>
        %sub3A_540 = arith.subi %add3A_537, %sub3A_539 : vector<16xi32>
        %lt3A_541 = arith.constant 64 : i32
        %lt3A_542 = vector.broadcast %lt3A_541 : i32 to vector<16xi32>
        %lt3A_543 = arith.cmpi slt, %sub3A_540, %lt3A_542 : vector<16xi32>
        %and3A_544 = arith.andi %le3A_532, %lt3A_543 : vector<16xi1>
        %min3A_545 = arith.constant 63 : i32
        %min3A_546 = vector.broadcast %min3A_545 : i32 to vector<16xi32>
        %min3A_547 = arith.minsi %sub3A_540, %min3A_546 : vector<16xi32>
        %scatter3A_548 = tpu.memref_slice %arg19[%mul3A_235] : memref<4608xi32, #tpu.memory_space<vmem>> -> memref<64xi32, #tpu.memory_space<vmem>>
        tpu.vector_store_idx %scatter3A_548[%min3A_547], %add3A_481 masked %and3A_544 : memref<64xi32, #tpu.memory_space<vmem>>[vector<16xi32>], vector<16xi32>, vector<16xi1>
        %all_reduce_population_count3A_549 = tpu.all_reduce %le3A_532 {dim = 0 : i64, kind = #tpu.reduction_kind<sum>} : vector<16xi1> -> vector<16xi32>
        %add3A_550 = arith.addi %min3A_454, %all_reduce_population_count3A_549 : vector<16xi32>
        %min3A_551 = arith.constant 64 : i32
        %min3A_552 = vector.broadcast %min3A_551 : i32 to vector<16xi32>
        %min3A_553 = arith.minsi %add3A_550, %min3A_552 : vector<16xi32>
        %scan3A_554 = arith.constant 2 : i32
        %scan3A_555 = arith.addi %scan3A_359, %scan3A_554 : i32
        %mul3A_556 = arith.constant 16 : i32
        %mul3A_557 = arith.muli %scan3A_555, %mul3A_556 : i32
        %get3A_558 = arith.index_cast %mul3A_557 : i32 to index
        %get3A_559 = tpu.vector_load %arg12[%get3A_558] {strides = array<i32>} : memref<4096xf32, #tpu.memory_space<vmem>>, vector<16xf32>,
        %mul3A_560 = arith.mulf %bitcast3A_199, %get3A_559 : vector<16xf32>
        %get3A_561 = arith.index_cast %mul3A_557 : i32 to index
        %get3A_562 = tpu.vector_load %arg13[%get3A_561] {strides = array<i32>} : memref<4096xf32, #tpu.memory_space<vmem>>, vector<16xf32>,
        %mul3A_563 = arith.mulf %bitcast3A_214, %get3A_562 : vector<16xf32>
        %add3A_564 = arith.addf %mul3A_560, %mul3A_563 : vector<16xf32>
        %get3A_565 = arith.index_cast %mul3A_557 : i32 to index
        %get3A_566 = tpu.vector_load %arg14[%get3A_565] {strides = array<i32>} : memref<4096xf32, #tpu.memory_space<vmem>>, vector<16xf32>,
        %mul3A_567 = arith.mulf %bitcast3A_229, %get3A_566 : vector<16xf32>
        %add3A_568 = arith.addf %add3A_564, %mul3A_567 : vector<16xf32>
        %get3A_569 = arith.index_cast %mul3A_557 : i32 to index
        %get3A_570 = tpu.vector_load %arg15[%get3A_569] {strides = array<i32>} : memref<4096xf32, #tpu.memory_space<vmem>>, vector<16xf32>,
        %add3A_571 = arith.addf %add3A_186, %get3A_570 : vector<16xf32>
        %mul3A_572 = arith.constant 2.000000e+00 : f32
        %mul3A_573 = vector.broadcast %mul3A_572 : f32 to vector<16xf32>
        %mul3A_574 = arith.mulf %mul3A_573, %add3A_568 : vector<16xf32>
        %sub3A_575 = arith.subf %add3A_571, %mul3A_574 : vector<16xf32>
        %mul3A_576 = arith.constant 16 : i32
        %mul3A_577 = arith.muli %scan3A_555, %mul3A_576 : i32
        %add3A_578 = arith.addi %mul3A_577, %mul3A_24 : i32
        %add3A_579 = vector.broadcast %add3A_578 : i32 to vector<16xi32>
        %add3A_580 = arith.addi %iota3A, %add3A_579 : vector<16xi32>
        %le3A_581 = arith.constant 4.000000e-02 : f32
        %le3A_582 = vector.broadcast %le3A_581 : f32 to vector<16xf32>
        %le3A_583 = arith.cmpf ole, %sub3A_575, %le3A_582 : vector<16xf32>
        %convert_element_type3A_584 = arith.extui %le3A_583 : vector<16xi1> to vector<16xi32>
        %broadcast_in_dim3A_585 = arith.constant true
        %broadcast_in_dim3A_586 = vector.broadcast %broadcast_in_dim3A_585 : i1 to vector<16xi1>
        %masked_cumsum3A_587 = tpu.scan <sum>, %convert_element_type3A_584 masked %broadcast_in_dim3A_586 : vector<16xi32>, vector<16xi1> -> vector<16xi32>
        %add3A_588 = arith.addi %min3A_505, %masked_cumsum3A_587 : vector<16xi32>
        %sub3A_589 = arith.constant 1 : i32
        %sub3A_590 = vector.broadcast %sub3A_589 : i32 to vector<16xi32>
        %sub3A_591 = arith.subi %add3A_588, %sub3A_590 : vector<16xi32>
        %lt3A_592 = arith.constant 16 : i32
        %lt3A_593 = vector.broadcast %lt3A_592 : i32 to vector<16xi32>
        %lt3A_594 = arith.cmpi slt, %sub3A_591, %lt3A_593 : vector<16xi32>
        %and3A_595 = arith.andi %le3A_583, %lt3A_594 : vector<16xi1>
        %min3A_596 = arith.constant 15 : i32
        %min3A_597 = vector.broadcast %min3A_596 : i32 to vector<16xi32>
        %min3A_598 = arith.minsi %sub3A_591, %min3A_597 : vector<16xi32>
        %scatter3A_599 = tpu.memref_slice %arg17[%mul3A_231] : memref<1152xi32, #tpu.memory_space<vmem>> -> memref<16xi32, #tpu.memory_space<vmem>>
        tpu.vector_store_idx %scatter3A_599[%min3A_598], %add3A_580 masked %and3A_595 : memref<16xi32, #tpu.memory_space<vmem>>[vector<16xi32>], vector<16xi32>, vector<16xi1>
        %all_reduce_population_count3A_600 = tpu.all_reduce %le3A_583 {dim = 0 : i64, kind = #tpu.reduction_kind<sum>} : vector<16xi1> -> vector<16xi32>
        %add3A_601 = arith.addi %min3A_505, %all_reduce_population_count3A_600 : vector<16xi32>
        %min3A_602 = arith.constant 16 : i32
        %min3A_603 = vector.broadcast %min3A_602 : i32 to vector<16xi32>
        %min3A_604 = arith.minsi %add3A_601, %min3A_603 : vector<16xi32>
        %le3A_605 = arith.constant 1.600000e-01 : f32
        %le3A_606 = vector.broadcast %le3A_605 : f32 to vector<16xf32>
        %le3A_607 = arith.cmpf ole, %sub3A_575, %le3A_606 : vector<16xf32>
        %convert_element_type3A_608 = arith.extui %le3A_607 : vector<16xi1> to vector<16xi32>
        %broadcast_in_dim3A_609 = arith.constant true
        %broadcast_in_dim3A_610 = vector.broadcast %broadcast_in_dim3A_609 : i1 to vector<16xi1>
        %masked_cumsum3A_611 = tpu.scan <sum>, %convert_element_type3A_608 masked %broadcast_in_dim3A_610 : vector<16xi32>, vector<16xi1> -> vector<16xi32>
        %add3A_612 = arith.addi %min3A_529, %masked_cumsum3A_611 : vector<16xi32>
        %sub3A_613 = arith.constant 1 : i32
        %sub3A_614 = vector.broadcast %sub3A_613 : i32 to vector<16xi32>
        %sub3A_615 = arith.subi %add3A_612, %sub3A_614 : vector<16xi32>
        %lt3A_616 = arith.constant 32 : i32
        %lt3A_617 = vector.broadcast %lt3A_616 : i32 to vector<16xi32>
        %lt3A_618 = arith.cmpi slt, %sub3A_615, %lt3A_617 : vector<16xi32>
        %and3A_619 = arith.andi %le3A_607, %lt3A_618 : vector<16xi1>
        %min3A_620 = arith.constant 31 : i32
        %min3A_621 = vector.broadcast %min3A_620 : i32 to vector<16xi32>
        %min3A_622 = arith.minsi %sub3A_615, %min3A_621 : vector<16xi32>
        %scatter3A_623 = tpu.memref_slice %arg18[%mul3A_233] : memref<2304xi32, #tpu.memory_space<vmem>> -> memref<32xi32, #tpu.memory_space<vmem>>
        tpu.vector_store_idx %scatter3A_623[%min3A_622], %add3A_580 masked %and3A_619 : memref<32xi32, #tpu.memory_space<vmem>>[vector<16xi32>], vector<16xi32>, vector<16xi1>
        %all_reduce_population_count3A_624 = tpu.all_reduce %le3A_607 {dim = 0 : i64, kind = #tpu.reduction_kind<sum>} : vector<16xi1> -> vector<16xi32>
        %add3A_625 = arith.addi %min3A_529, %all_reduce_population_count3A_624 : vector<16xi32>
        %min3A_626 = arith.constant 32 : i32
        %min3A_627 = vector.broadcast %min3A_626 : i32 to vector<16xi32>
        %min3A_628 = arith.minsi %add3A_625, %min3A_627 : vector<16xi32>
        %le3A_629 = arith.constant 6.400000e-01 : f32
        %le3A_630 = vector.broadcast %le3A_629 : f32 to vector<16xf32>
        %le3A_631 = arith.cmpf ole, %sub3A_575, %le3A_630 : vector<16xf32>
        %convert_element_type3A_632 = arith.extui %le3A_631 : vector<16xi1> to vector<16xi32>
        %broadcast_in_dim3A_633 = arith.constant true
        %broadcast_in_dim3A_634 = vector.broadcast %broadcast_in_dim3A_633 : i1 to vector<16xi1>
        %masked_cumsum3A_635 = tpu.scan <sum>, %convert_element_type3A_632 masked %broadcast_in_dim3A_634 : vector<16xi32>, vector<16xi1> -> vector<16xi32>
        %add3A_636 = arith.addi %min3A_553, %masked_cumsum3A_635 : vector<16xi32>
        %sub3A_637 = arith.constant 1 : i32
        %sub3A_638 = vector.broadcast %sub3A_637 : i32 to vector<16xi32>
        %sub3A_639 = arith.subi %add3A_636, %sub3A_638 : vector<16xi32>
        %lt3A_640 = arith.constant 64 : i32
        %lt3A_641 = vector.broadcast %lt3A_640 : i32 to vector<16xi32>
        %lt3A_642 = arith.cmpi slt, %sub3A_639, %lt3A_641 : vector<16xi32>
        %and3A_643 = arith.andi %le3A_631, %lt3A_642 : vector<16xi1>
        %min3A_644 = arith.constant 63 : i32
        %min3A_645 = vector.broadcast %min3A_644 : i32 to vector<16xi32>
        %min3A_646 = arith.minsi %sub3A_639, %min3A_645 : vector<16xi32>
        %scatter3A_647 = tpu.memref_slice %arg19[%mul3A_235] : memref<4608xi32, #tpu.memory_space<vmem>> -> memref<64xi32, #tpu.memory_space<vmem>>
        tpu.vector_store_idx %scatter3A_647[%min3A_646], %add3A_580 masked %and3A_643 : memref<64xi32, #tpu.memory_space<vmem>>[vector<16xi32>], vector<16xi32>, vector<16xi1>
        %all_reduce_population_count3A_648 = tpu.all_reduce %le3A_631 {dim = 0 : i64, kind = #tpu.reduction_kind<sum>} : vector<16xi1> -> vector<16xi32>
        %add3A_649 = arith.addi %min3A_553, %all_reduce_population_count3A_648 : vector<16xi32>
        %min3A_650 = arith.constant 64 : i32
        %min3A_651 = vector.broadcast %min3A_650 : i32 to vector<16xi32>
        %min3A_652 = arith.minsi %add3A_649, %min3A_651 : vector<16xi32>
        %scan3A_653 = arith.constant 3 : i32
        %scan3A_654 = arith.addi %scan3A_359, %scan3A_653 : i32
        %mul3A_655 = arith.constant 16 : i32
        %mul3A_656 = arith.muli %scan3A_654, %mul3A_655 : i32
        %get3A_657 = arith.index_cast %mul3A_656 : i32 to index
        %get3A_658 = tpu.vector_load %arg12[%get3A_657] {strides = array<i32>} : memref<4096xf32, #tpu.memory_space<vmem>>, vector<16xf32>,
        %mul3A_659 = arith.mulf %bitcast3A_199, %get3A_658 : vector<16xf32>
        %get3A_660 = arith.index_cast %mul3A_656 : i32 to index
        %get3A_661 = tpu.vector_load %arg13[%get3A_660] {strides = array<i32>} : memref<4096xf32, #tpu.memory_space<vmem>>, vector<16xf32>,
        %mul3A_662 = arith.mulf %bitcast3A_214, %get3A_661 : vector<16xf32>
        %add3A_663 = arith.addf %mul3A_659, %mul3A_662 : vector<16xf32>
        %get3A_664 = arith.index_cast %mul3A_656 : i32 to index
        %get3A_665 = tpu.vector_load %arg14[%get3A_664] {strides = array<i32>} : memref<4096xf32, #tpu.memory_space<vmem>>, vector<16xf32>,
        %mul3A_666 = arith.mulf %bitcast3A_229, %get3A_665 : vector<16xf32>
        %add3A_667 = arith.addf %add3A_663, %mul3A_666 : vector<16xf32>
        %get3A_668 = arith.index_cast %mul3A_656 : i32 to index
        %get3A_669 = tpu.vector_load %arg15[%get3A_668] {strides = array<i32>} : memref<4096xf32, #tpu.memory_space<vmem>>, vector<16xf32>,
        %add3A_670 = arith.addf %add3A_186, %get3A_669 : vector<16xf32>
        %mul3A_671 = arith.constant 2.000000e+00 : f32
        %mul3A_672 = vector.broadcast %mul3A_671 : f32 to vector<16xf32>
        %mul3A_673 = arith.mulf %mul3A_672, %add3A_667 : vector<16xf32>
        %sub3A_674 = arith.subf %add3A_670, %mul3A_673 : vector<16xf32>
        %mul3A_675 = arith.constant 16 : i32
        %mul3A_676 = arith.muli %scan3A_654, %mul3A_675 : i32
        %add3A_677 = arith.addi %mul3A_676, %mul3A_24 : i32
        %add3A_678 = vector.broadcast %add3A_677 : i32 to vector<16xi32>
        %add3A_679 = arith.addi %iota3A, %add3A_678 : vector<16xi32>
        %le3A_680 = arith.constant 4.000000e-02 : f32
        %le3A_681 = vector.broadcast %le3A_680 : f32 to vector<16xf32>
        %le3A_682 = arith.cmpf ole, %sub3A_674, %le3A_681 : vector<16xf32>
        %convert_element_type3A_683 = arith.extui %le3A_682 : vector<16xi1> to vector<16xi32>
        %broadcast_in_dim3A_684 = arith.constant true
        %broadcast_in_dim3A_685 = vector.broadcast %broadcast_in_dim3A_684 : i1 to vector<16xi1>
        %masked_cumsum3A_686 = tpu.scan <sum>, %convert_element_type3A_683 masked %broadcast_in_dim3A_685 : vector<16xi32>, vector<16xi1> -> vector<16xi32>
        %add3A_687 = arith.addi %min3A_604, %masked_cumsum3A_686 : vector<16xi32>
        %sub3A_688 = arith.constant 1 : i32
        %sub3A_689 = vector.broadcast %sub3A_688 : i32 to vector<16xi32>
        %sub3A_690 = arith.subi %add3A_687, %sub3A_689 : vector<16xi32>
        %lt3A_691 = arith.constant 16 : i32
        %lt3A_692 = vector.broadcast %lt3A_691 : i32 to vector<16xi32>
        %lt3A_693 = arith.cmpi slt, %sub3A_690, %lt3A_692 : vector<16xi32>
        %and3A_694 = arith.andi %le3A_682, %lt3A_693 : vector<16xi1>
        %min3A_695 = arith.constant 15 : i32
        %min3A_696 = vector.broadcast %min3A_695 : i32 to vector<16xi32>
        %min3A_697 = arith.minsi %sub3A_690, %min3A_696 : vector<16xi32>
        %scatter3A_698 = tpu.memref_slice %arg17[%mul3A_231] : memref<1152xi32, #tpu.memory_space<vmem>> -> memref<16xi32, #tpu.memory_space<vmem>>
        tpu.vector_store_idx %scatter3A_698[%min3A_697], %add3A_679 masked %and3A_694 : memref<16xi32, #tpu.memory_space<vmem>>[vector<16xi32>], vector<16xi32>, vector<16xi1>
        %all_reduce_population_count3A_699 = tpu.all_reduce %le3A_682 {dim = 0 : i64, kind = #tpu.reduction_kind<sum>} : vector<16xi1> -> vector<16xi32>
        %add3A_700 = arith.addi %min3A_604, %all_reduce_population_count3A_699 : vector<16xi32>
        %min3A_701 = arith.constant 16 : i32
        %min3A_702 = vector.broadcast %min3A_701 : i32 to vector<16xi32>
        %min3A_703 = arith.minsi %add3A_700, %min3A_702 : vector<16xi32>
        %le3A_704 = arith.constant 1.600000e-01 : f32
        %le3A_705 = vector.broadcast %le3A_704 : f32 to vector<16xf32>
        %le3A_706 = arith.cmpf ole, %sub3A_674, %le3A_705 : vector<16xf32>
        %convert_element_type3A_707 = arith.extui %le3A_706 : vector<16xi1> to vector<16xi32>
        %broadcast_in_dim3A_708 = arith.constant true
        %broadcast_in_dim3A_709 = vector.broadcast %broadcast_in_dim3A_708 : i1 to vector<16xi1>
        %masked_cumsum3A_710 = tpu.scan <sum>, %convert_element_type3A_707 masked %broadcast_in_dim3A_709 : vector<16xi32>, vector<16xi1> -> vector<16xi32>
        %add3A_711 = arith.addi %min3A_628, %masked_cumsum3A_710 : vector<16xi32>
        %sub3A_712 = arith.constant 1 : i32
        %sub3A_713 = vector.broadcast %sub3A_712 : i32 to vector<16xi32>
        %sub3A_714 = arith.subi %add3A_711, %sub3A_713 : vector<16xi32>
        %lt3A_715 = arith.constant 32 : i32
        %lt3A_716 = vector.broadcast %lt3A_715 : i32 to vector<16xi32>
        %lt3A_717 = arith.cmpi slt, %sub3A_714, %lt3A_716 : vector<16xi32>
        %and3A_718 = arith.andi %le3A_706, %lt3A_717 : vector<16xi1>
        %min3A_719 = arith.constant 31 : i32
        %min3A_720 = vector.broadcast %min3A_719 : i32 to vector<16xi32>
        %min3A_721 = arith.minsi %sub3A_714, %min3A_720 : vector<16xi32>
        %scatter3A_722 = tpu.memref_slice %arg18[%mul3A_233] : memref<2304xi32, #tpu.memory_space<vmem>> -> memref<32xi32, #tpu.memory_space<vmem>>
        tpu.vector_store_idx %scatter3A_722[%min3A_721], %add3A_679 masked %and3A_718 : memref<32xi32, #tpu.memory_space<vmem>>[vector<16xi32>], vector<16xi32>, vector<16xi1>
        %all_reduce_population_count3A_723 = tpu.all_reduce %le3A_706 {dim = 0 : i64, kind = #tpu.reduction_kind<sum>} : vector<16xi1> -> vector<16xi32>
        %add3A_724 = arith.addi %min3A_628, %all_reduce_population_count3A_723 : vector<16xi32>
        %min3A_725 = arith.constant 32 : i32
        %min3A_726 = vector.broadcast %min3A_725 : i32 to vector<16xi32>
        %min3A_727 = arith.minsi %add3A_724, %min3A_726 : vector<16xi32>
        %le3A_728 = arith.constant 6.400000e-01 : f32
        %le3A_729 = vector.broadcast %le3A_728 : f32 to vector<16xf32>
        %le3A_730 = arith.cmpf ole, %sub3A_674, %le3A_729 : vector<16xf32>
        %convert_element_type3A_731 = arith.extui %le3A_730 : vector<16xi1> to vector<16xi32>
        %broadcast_in_dim3A_732 = arith.constant true
        %broadcast_in_dim3A_733 = vector.broadcast %broadcast_in_dim3A_732 : i1 to vector<16xi1>
        %masked_cumsum3A_734 = tpu.scan <sum>, %convert_element_type3A_731 masked %broadcast_in_dim3A_733 : vector<16xi32>, vector<16xi1> -> vector<16xi32>
        %add3A_735 = arith.addi %min3A_652, %masked_cumsum3A_734 : vector<16xi32>
        %sub3A_736 = arith.constant 1 : i32
        %sub3A_737 = vector.broadcast %sub3A_736 : i32 to vector<16xi32>
        %sub3A_738 = arith.subi %add3A_735, %sub3A_737 : vector<16xi32>
        %lt3A_739 = arith.constant 64 : i32
        %lt3A_740 = vector.broadcast %lt3A_739 : i32 to vector<16xi32>
        %lt3A_741 = arith.cmpi slt, %sub3A_738, %lt3A_740 : vector<16xi32>
        %and3A_742 = arith.andi %le3A_730, %lt3A_741 : vector<16xi1>
        %min3A_743 = arith.constant 63 : i32
        %min3A_744 = vector.broadcast %min3A_743 : i32 to vector<16xi32>
        %min3A_745 = arith.minsi %sub3A_738, %min3A_744 : vector<16xi32>
        %scatter3A_746 = tpu.memref_slice %arg19[%mul3A_235] : memref<4608xi32, #tpu.memory_space<vmem>> -> memref<64xi32, #tpu.memory_space<vmem>>
        tpu.vector_store_idx %scatter3A_746[%min3A_745], %add3A_679 masked %and3A_742 : memref<64xi32, #tpu.memory_space<vmem>>[vector<16xi32>], vector<16xi32>, vector<16xi1>
        %all_reduce_population_count3A_747 = tpu.all_reduce %le3A_730 {dim = 0 : i64, kind = #tpu.reduction_kind<sum>} : vector<16xi1> -> vector<16xi32>
        %add3A_748 = arith.addi %min3A_652, %all_reduce_population_count3A_747 : vector<16xi32>
        %min3A_749 = arith.constant 64 : i32
        %min3A_750 = vector.broadcast %min3A_749 : i32 to vector<16xi32>
        %min3A_751 = arith.minsi %add3A_748, %min3A_750 : vector<16xi32>
        scf.yield %min3A_703, %min3A_727, %min3A_751 : vector<16xi32>, vector<16xi32>, vector<16xi32>
      }
      %scan3A_241 = arith.constant 256 : i32
      %mul3A_242 = arith.constant 16 : i32
      %mul3A_243 = arith.muli %scan3A_176, %mul3A_242 : i32
      %add3A_244 = vector.broadcast %mul3A_243 : i32 to vector<16xi32>
      %add3A_245 = arith.addi %broadcast_in_dim3A_25, %add3A_244 : vector<16xi32>
      %gather3A_246 = tpu.vector_load_idx %arg17[%add3A_245] : memref<1152xi32, #tpu.memory_space<vmem>>[vector<16xi32>], vector<16xi32>,
      %gt3A = arith.constant 0 : i32
      %gt3A_247 = vector.broadcast %gt3A : i32 to vector<16xi32>
      %gt3A_248 = arith.cmpi sgt, %scan3A_240#0, %gt3A_247 : vector<16xi32>
      %select_n3A_249 = arith.select %gt3A_248, %gather3A_246, %broadcast_in_dim3A_26 : vector<16xi1>, vector<16xi32>
      %mul3A_250 = arith.constant 16 : i32
      %mul3A_251 = arith.muli %scan3A_176, %mul3A_250 : i32
      %add3A_252 = arith.constant 0 : i32
      %add3A_253 = arith.addi %mul3A_251, %add3A_252 : i32
      %add3A_254 = arith.constant 0 : i32
      %add3A_255 = vector.broadcast %add3A_254 : i32 to vector<16xi32>
      %add3A_256 = arith.addi %iota3A, %add3A_255 : vector<16xi32>
      %lt3A = arith.cmpi slt, %add3A_256, %scan3A_240#0 : vector<16xi32>
      %get3A_257 = arith.index_cast %add3A_253 : i32 to index
      %get3A_258 = tpu.vector_load %arg17[%get3A_257] {strides = array<i32>} : memref<1152xi32, #tpu.memory_space<vmem>>, vector<16xi32>,
      %select_n3A_259 = arith.select %lt3A, %get3A_258, %select_n3A_249 : vector<16xi1>, vector<16xi32>
      %swap3A_260 = arith.index_cast %add3A_253 : i32 to index
      %swap3A_261 = tpu.vector_load %arg17[%swap3A_260] {strides = array<i32>} : memref<1152xi32, #tpu.memory_space<vmem>>, vector<16xi32>,
      tpu.vector_store %arg17[%swap3A_260], %select_n3A_259 {strides = array<i32>} : memref<1152xi32, #tpu.memory_space<vmem>>, vector<16xi32>,
      %mul3A_262 = arith.constant 32 : i32
      %mul3A_263 = arith.muli %scan3A_176, %mul3A_262 : i32
      %add3A_264 = vector.broadcast %mul3A_263 : i32 to vector<16xi32>
      %add3A_265 = arith.addi %broadcast_in_dim3A_25, %add3A_264 : vector<16xi32>
      %gather3A_266 = tpu.vector_load_idx %arg18[%add3A_265] : memref<2304xi32, #tpu.memory_space<vmem>>[vector<16xi32>], vector<16xi32>,
      %gt3A_267 = arith.constant 0 : i32
      %gt3A_268 = vector.broadcast %gt3A_267 : i32 to vector<16xi32>
      %gt3A_269 = arith.cmpi sgt, %scan3A_240#1, %gt3A_268 : vector<16xi32>
      %select_n3A_270 = arith.select %gt3A_269, %gather3A_266, %broadcast_in_dim3A_26 : vector<16xi1>, vector<16xi32>
      %mul3A_271 = arith.constant 32 : i32
      %mul3A_272 = arith.muli %scan3A_176, %mul3A_271 : i32
      %add3A_273 = arith.constant 0 : i32
      %add3A_274 = arith.addi %mul3A_272, %add3A_273 : i32
      %add3A_275 = arith.constant 0 : i32
      %add3A_276 = vector.broadcast %add3A_275 : i32 to vector<16xi32>
      %add3A_277 = arith.addi %iota3A, %add3A_276 : vector<16xi32>
      %lt3A_278 = arith.cmpi slt, %add3A_277, %scan3A_240#1 : vector<16xi32>
      %get3A_279 = arith.index_cast %add3A_274 : i32 to index
      %get3A_280 = tpu.vector_load %arg18[%get3A_279] {strides = array<i32>} : memref<2304xi32, #tpu.memory_space<vmem>>, vector<16xi32>,
      %select_n3A_281 = arith.select %lt3A_278, %get3A_280, %select_n3A_270 : vector<16xi1>, vector<16xi32>
      %swap3A_282 = arith.index_cast %add3A_274 : i32 to index
      %swap3A_283 = tpu.vector_load %arg18[%swap3A_282] {strides = array<i32>} : memref<2304xi32, #tpu.memory_space<vmem>>, vector<16xi32>,
      tpu.vector_store %arg18[%swap3A_282], %select_n3A_281 {strides = array<i32>} : memref<2304xi32, #tpu.memory_space<vmem>>, vector<16xi32>,
      %mul3A_284 = arith.constant 32 : i32
      %mul3A_285 = arith.muli %scan3A_176, %mul3A_284 : i32
      %add3A_286 = arith.constant 16 : i32
      %add3A_287 = arith.addi %mul3A_285, %add3A_286 : i32
      %add3A_288 = arith.constant 16 : i32
      %add3A_289 = vector.broadcast %add3A_288 : i32 to vector<16xi32>
      %add3A_290 = arith.addi %iota3A, %add3A_289 : vector<16xi32>
      %lt3A_291 = arith.cmpi slt, %add3A_290, %scan3A_240#1 : vector<16xi32>
      %get3A_292 = arith.index_cast %add3A_287 : i32 to index
      %get3A_293 = tpu.vector_load %arg18[%get3A_292] {strides = array<i32>} : memref<2304xi32, #tpu.memory_space<vmem>>, vector<16xi32>,
      %select_n3A_294 = arith.select %lt3A_291, %get3A_293, %select_n3A_270 : vector<16xi1>, vector<16xi32>
      %swap3A_295 = arith.index_cast %add3A_287 : i32 to index
      %swap3A_296 = tpu.vector_load %arg18[%swap3A_295] {strides = array<i32>} : memref<2304xi32, #tpu.memory_space<vmem>>, vector<16xi32>,
      tpu.vector_store %arg18[%swap3A_295], %select_n3A_294 {strides = array<i32>} : memref<2304xi32, #tpu.memory_space<vmem>>, vector<16xi32>,
      %mul3A_297 = arith.constant 64 : i32
      %mul3A_298 = arith.muli %scan3A_176, %mul3A_297 : i32
      %add3A_299 = vector.broadcast %mul3A_298 : i32 to vector<16xi32>
      %add3A_300 = arith.addi %broadcast_in_dim3A_25, %add3A_299 : vector<16xi32>
      %gather3A_301 = tpu.vector_load_idx %arg19[%add3A_300] : memref<4608xi32, #tpu.memory_space<vmem>>[vector<16xi32>], vector<16xi32>,
      %gt3A_302 = arith.constant 0 : i32
      %gt3A_303 = vector.broadcast %gt3A_302 : i32 to vector<16xi32>
      %gt3A_304 = arith.cmpi sgt, %scan3A_240#2, %gt3A_303 : vector<16xi32>
      %select_n3A_305 = arith.select %gt3A_304, %gather3A_301, %broadcast_in_dim3A_26 : vector<16xi1>, vector<16xi32>
      %mul3A_306 = arith.constant 64 : i32
      %mul3A_307 = arith.muli %scan3A_176, %mul3A_306 : i32
      %add3A_308 = arith.constant 0 : i32
      %add3A_309 = arith.addi %mul3A_307, %add3A_308 : i32
      %add3A_310 = arith.constant 0 : i32
      %add3A_311 = vector.broadcast %add3A_310 : i32 to vector<16xi32>
      %add3A_312 = arith.addi %iota3A, %add3A_311 : vector<16xi32>
      %lt3A_313 = arith.cmpi slt, %add3A_312, %scan3A_240#2 : vector<16xi32>
      %get3A_314 = arith.index_cast %add3A_309 : i32 to index
      %get3A_315 = tpu.vector_load %arg19[%get3A_314] {strides = array<i32>} : memref<4608xi32, #tpu.memory_space<vmem>>, vector<16xi32>,
      %select_n3A_316 = arith.select %lt3A_313, %get3A_315, %select_n3A_305 : vector<16xi1>, vector<16xi32>
      %swap3A_317 = arith.index_cast %add3A_309 : i32 to index
      %swap3A_318 = tpu.vector_load %arg19[%swap3A_317] {strides = array<i32>} : memref<4608xi32, #tpu.memory_space<vmem>>, vector<16xi32>,
      tpu.vector_store %arg19[%swap3A_317], %select_n3A_316 {strides = array<i32>} : memref<4608xi32, #tpu.memory_space<vmem>>, vector<16xi32>,
      %mul3A_319 = arith.constant 64 : i32
      %mul3A_320 = arith.muli %scan3A_176, %mul3A_319 : i32
      %add3A_321 = arith.constant 16 : i32
      %add3A_322 = arith.addi %mul3A_320, %add3A_321 : i32
      %add3A_323 = arith.constant 16 : i32
      %add3A_324 = vector.broadcast %add3A_323 : i32 to vector<16xi32>
      %add3A_325 = arith.addi %iota3A, %add3A_324 : vector<16xi32>
      %lt3A_326 = arith.cmpi slt, %add3A_325, %scan3A_240#2 : vector<16xi32>
      %get3A_327 = arith.index_cast %add3A_322 : i32 to index
      %get3A_328 = tpu.vector_load %arg19[%get3A_327] {strides = array<i32>} : memref<4608xi32, #tpu.memory_space<vmem>>, vector<16xi32>,
      %select_n3A_329 = arith.select %lt3A_326, %get3A_328, %select_n3A_305 : vector<16xi1>, vector<16xi32>
      %swap3A_330 = arith.index_cast %add3A_322 : i32 to index
      %swap3A_331 = tpu.vector_load %arg19[%swap3A_330] {strides = array<i32>} : memref<4608xi32, #tpu.memory_space<vmem>>, vector<16xi32>,
      tpu.vector_store %arg19[%swap3A_330], %select_n3A_329 {strides = array<i32>} : memref<4608xi32, #tpu.memory_space<vmem>>, vector<16xi32>,
      %mul3A_332 = arith.constant 64 : i32
      %mul3A_333 = arith.muli %scan3A_176, %mul3A_332 : i32
      %add3A_334 = arith.constant 32 : i32
      %add3A_335 = arith.addi %mul3A_333, %add3A_334 : i32
      %add3A_336 = arith.constant 32 : i32
      %add3A_337 = vector.broadcast %add3A_336 : i32 to vector<16xi32>
      %add3A_338 = arith.addi %iota3A, %add3A_337 : vector<16xi32>
      %lt3A_339 = arith.cmpi slt, %add3A_338, %scan3A_240#2 : vector<16xi32>
      %get3A_340 = arith.index_cast %add3A_335 : i32 to index
      %get3A_341 = tpu.vector_load %arg19[%get3A_340] {strides = array<i32>} : memref<4608xi32, #tpu.memory_space<vmem>>, vector<16xi32>,
      %select_n3A_342 = arith.select %lt3A_339, %get3A_341, %select_n3A_305 : vector<16xi1>, vector<16xi32>
      %swap3A_343 = arith.index_cast %add3A_335 : i32 to index
      %swap3A_344 = tpu.vector_load %arg19[%swap3A_343] {strides = array<i32>} : memref<4608xi32, #tpu.memory_space<vmem>>, vector<16xi32>,
      tpu.vector_store %arg19[%swap3A_343], %select_n3A_342 {strides = array<i32>} : memref<4608xi32, #tpu.memory_space<vmem>>, vector<16xi32>,
      %mul3A_345 = arith.constant 64 : i32
      %mul3A_346 = arith.muli %scan3A_176, %mul3A_345 : i32
      %add3A_347 = arith.constant 48 : i32
      %add3A_348 = arith.addi %mul3A_346, %add3A_347 : i32
      %add3A_349 = arith.constant 48 : i32
      %add3A_350 = vector.broadcast %add3A_349 : i32 to vector<16xi32>
      %add3A_351 = arith.addi %iota3A, %add3A_350 : vector<16xi32>
      %lt3A_352 = arith.cmpi slt, %add3A_351, %scan3A_240#2 : vector<16xi32>
      %get3A_353 = arith.index_cast %add3A_348 : i32 to index
      %get3A_354 = tpu.vector_load %arg19[%get3A_353] {strides = array<i32>} : memref<4608xi32, #tpu.memory_space<vmem>>, vector<16xi32>,
      %select_n3A_355 = arith.select %lt3A_352, %get3A_354, %select_n3A_305 : vector<16xi1>, vector<16xi32>
      %swap3A_356 = arith.index_cast %add3A_348 : i32 to index
      %swap3A_357 = tpu.vector_load %arg19[%swap3A_356] {strides = array<i32>} : memref<4608xi32, #tpu.memory_space<vmem>>, vector<16xi32>,
      tpu.vector_store %arg19[%swap3A_356], %select_n3A_355 {strides = array<i32>} : memref<4608xi32, #tpu.memory_space<vmem>>, vector<16xi32>,
      %scan3A_358 = arith.constant 0 : i32
      scf.yield %scan3A_358 : i32
    }
    %scan3A_164 = arith.constant 72 : i32
    %scan3A_165 = arith.constant 0 : i32
    %scan3A_166 = arith.constant 0 : i32
    %scan3A_167 = arith.constant 6 : i32
    %scan3A_168 = arith.addi %scan3A_166, %scan3A_167 : i32
    %scan3A_169 = arith.constant 1 : i32
    %scan3A_170 = scf.for %scan3A_176 = %scan3A_166 to %scan3A_168 step %scan3A_169 iter_args(%scan3A_177 = %scan3A_165) -> (i32)  : i32 {
      %mul3A_178 = arith.constant 12 : i32
      %mul3A_179 = arith.muli %scan3A_176, %mul3A_178 : i32
      %mul3A_180 = arith.constant 16 : i32
      %mul3A_181 = arith.muli %mul3A_179, %mul3A_180 : i32
      %add3A_182 = arith.constant 0 : i32
      %add3A_183 = arith.addi %mul3A_181, %add3A_182 : i32
      %dma_start3A = arith.constant 0 : i32
      %dma_start3A_184 = arith.constant 0 : i32
      %dma_start3A_185 = tpu.memref_slice %arg20[%dma_start3A, %dma_start3A_184] : memref<192x48xf32, #tpu.memory_space<vmem>> -> memref<96x48xf32, #tpu.memory_space<vmem>>
      %dma_start3A_186 = tpu.memref_slice %arg17[%add3A_183] : memref<1152xi32, #tpu.memory_space<vmem>> -> memref<96xi32, #tpu.memory_space<vmem>>
      %dma_start3A_187 = arith.constant 0 : i32
      %dma_start3A_188 = arith.constant 0 : i32
      %dma_start3A_189 = tpu.memref_slice %arg7[%dma_start3A_187, %dma_start3A_188] : memref<16384x48xf32, #tpu.memory_space<hbm>> -> memref<16384x48xf32, #tpu.memory_space<hbm>>
      tpu.enqueue_indirect_dma source(%dma_start3A_189 : memref<16384x48xf32, #tpu.memory_space<hbm>>) target(%dma_start3A_185 : memref<96x48xf32, #tpu.memory_space<vmem>>) offsets(%dma_start3A_186 : memref<96xi32, #tpu.memory_space<vmem>>) semaphore(%arg27 : memref<!tpu.dma_semaphore, #tpu.memory_space<semaphore_mem>>)
      %mul3A_190 = arith.constant 16 : i32
      %mul3A_191 = arith.muli %mul3A_179, %mul3A_190 : i32
      %add3A_192 = arith.constant 96 : i32
      %add3A_193 = arith.addi %mul3A_191, %add3A_192 : i32
      %dma_start3A_194 = arith.constant 96 : i32
      %dma_start3A_195 = arith.constant 0 : i32
      %dma_start3A_196 = tpu.memref_slice %arg20[%dma_start3A_194, %dma_start3A_195] : memref<192x48xf32, #tpu.memory_space<vmem>> -> memref<96x48xf32, #tpu.memory_space<vmem>>
      %dma_start3A_197 = tpu.memref_slice %arg17[%add3A_193] : memref<1152xi32, #tpu.memory_space<vmem>> -> memref<96xi32, #tpu.memory_space<vmem>>
      %dma_start3A_198 = arith.constant 0 : i32
      %dma_start3A_199 = arith.constant 0 : i32
      %dma_start3A_200 = tpu.memref_slice %arg7[%dma_start3A_198, %dma_start3A_199] : memref<16384x48xf32, #tpu.memory_space<hbm>> -> memref<16384x48xf32, #tpu.memory_space<hbm>>
      tpu.enqueue_indirect_dma source(%dma_start3A_200 : memref<16384x48xf32, #tpu.memory_space<hbm>>) target(%dma_start3A_196 : memref<96x48xf32, #tpu.memory_space<vmem>>) offsets(%dma_start3A_197 : memref<96xi32, #tpu.memory_space<vmem>>) semaphore(%arg27 : memref<!tpu.dma_semaphore, #tpu.memory_space<semaphore_mem>>)
      %mul3A_201 = arith.constant 32 : i32
      %mul3A_202 = arith.muli %mul3A_179, %mul3A_201 : i32
      %add3A_203 = arith.constant 0 : i32
      %add3A_204 = arith.addi %mul3A_202, %add3A_203 : i32
      %dma_start3A_205 = arith.constant 0 : i32
      %dma_start3A_206 = arith.constant 0 : i32
      %dma_start3A_207 = tpu.memref_slice %arg21[%dma_start3A_205, %dma_start3A_206] : memref<384x48xf32, #tpu.memory_space<vmem>> -> memref<128x48xf32, #tpu.memory_space<vmem>>
      %dma_start3A_208 = tpu.memref_slice %arg18[%add3A_204] : memref<2304xi32, #tpu.memory_space<vmem>> -> memref<128xi32, #tpu.memory_space<vmem>>
      %dma_start3A_209 = arith.constant 0 : i32
      %dma_start3A_210 = arith.constant 0 : i32
      %dma_start3A_211 = tpu.memref_slice %arg7[%dma_start3A_209, %dma_start3A_210] : memref<16384x48xf32, #tpu.memory_space<hbm>> -> memref<16384x48xf32, #tpu.memory_space<hbm>>
      tpu.enqueue_indirect_dma source(%dma_start3A_211 : memref<16384x48xf32, #tpu.memory_space<hbm>>) target(%dma_start3A_207 : memref<128x48xf32, #tpu.memory_space<vmem>>) offsets(%dma_start3A_208 : memref<128xi32, #tpu.memory_space<vmem>>) semaphore(%arg27 : memref<!tpu.dma_semaphore, #tpu.memory_space<semaphore_mem>>)
      %mul3A_212 = arith.constant 32 : i32
      %mul3A_213 = arith.muli %mul3A_179, %mul3A_212 : i32
      %add3A_214 = arith.constant 128 : i32
      %add3A_215 = arith.addi %mul3A_213, %add3A_214 : i32
      %dma_start3A_216 = arith.constant 128 : i32
      %dma_start3A_217 = arith.constant 0 : i32
      %dma_start3A_218 = tpu.memref_slice %arg21[%dma_start3A_216, %dma_start3A_217] : memref<384x48xf32, #tpu.memory_space<vmem>> -> memref<128x48xf32, #tpu.memory_space<vmem>>
      %dma_start3A_219 = tpu.memref_slice %arg18[%add3A_215] : memref<2304xi32, #tpu.memory_space<vmem>> -> memref<128xi32, #tpu.memory_space<vmem>>
      %dma_start3A_220 = arith.constant 0 : i32
      %dma_start3A_221 = arith.constant 0 : i32
      %dma_start3A_222 = tpu.memref_slice %arg7[%dma_start3A_220, %dma_start3A_221] : memref<16384x48xf32, #tpu.memory_space<hbm>> -> memref<16384x48xf32, #tpu.memory_space<hbm>>
      tpu.enqueue_indirect_dma source(%dma_start3A_222 : memref<16384x48xf32, #tpu.memory_space<hbm>>) target(%dma_start3A_218 : memref<128x48xf32, #tpu.memory_space<vmem>>) offsets(%dma_start3A_219 : memref<128xi32, #tpu.memory_space<vmem>>) semaphore(%arg27 : memref<!tpu.dma_semaphore, #tpu.memory_space<semaphore_mem>>)
      %mul3A_223 = arith.constant 32 : i32
      %mul3A_224 = arith.muli %mul3A_179, %mul3A_223 : i32
      %add3A_225 = arith.constant 256 : i32
      %add3A_226 = arith.addi %mul3A_224, %add3A_225 : i32
      %dma_start3A_227 = arith.constant 256 : i32
      %dma_start3A_228 = arith.constant 0 : i32
      %dma_start3A_229 = tpu.memref_slice %arg21[%dma_start3A_227, %dma_start3A_228] : memref<384x48xf32, #tpu.memory_space<vmem>> -> memref<128x48xf32, #tpu.memory_space<vmem>>
      %dma_start3A_230 = tpu.memref_slice %arg18[%add3A_226] : memref<2304xi32, #tpu.memory_space<vmem>> -> memref<128xi32, #tpu.memory_space<vmem>>
      %dma_start3A_231 = arith.constant 0 : i32
      %dma_start3A_232 = arith.constant 0 : i32
      %dma_start3A_233 = tpu.memref_slice %arg7[%dma_start3A_231, %dma_start3A_232] : memref<16384x48xf32, #tpu.memory_space<hbm>> -> memref<16384x48xf32, #tpu.memory_space<hbm>>
      tpu.enqueue_indirect_dma source(%dma_start3A_233 : memref<16384x48xf32, #tpu.memory_space<hbm>>) target(%dma_start3A_229 : memref<128x48xf32, #tpu.memory_space<vmem>>) offsets(%dma_start3A_230 : memref<128xi32, #tpu.memory_space<vmem>>) semaphore(%arg27 : memref<!tpu.dma_semaphore, #tpu.memory_space<semaphore_mem>>)
      %mul3A_234 = arith.constant 64 : i32
      %mul3A_235 = arith.muli %mul3A_179, %mul3A_234 : i32
      %add3A_236 = arith.constant 0 : i32
      %add3A_237 = arith.addi %mul3A_235, %add3A_236 : i32
      %dma_start3A_238 = arith.constant 0 : i32
      %dma_start3A_239 = arith.constant 0 : i32
      %dma_start3A_240 = tpu.memref_slice %arg22[%dma_start3A_238, %dma_start3A_239] : memref<768x48xf32, #tpu.memory_space<vmem>> -> memref<128x48xf32, #tpu.memory_space<vmem>>
      %dma_start3A_241 = tpu.memref_slice %arg19[%add3A_237] : memref<4608xi32, #tpu.memory_space<vmem>> -> memref<128xi32, #tpu.memory_space<vmem>>
      %dma_start3A_242 = arith.constant 0 : i32
      %dma_start3A_243 = arith.constant 0 : i32
      %dma_start3A_244 = tpu.memref_slice %arg7[%dma_start3A_242, %dma_start3A_243] : memref<16384x48xf32, #tpu.memory_space<hbm>> -> memref<16384x48xf32, #tpu.memory_space<hbm>>
      tpu.enqueue_indirect_dma source(%dma_start3A_244 : memref<16384x48xf32, #tpu.memory_space<hbm>>) target(%dma_start3A_240 : memref<128x48xf32, #tpu.memory_space<vmem>>) offsets(%dma_start3A_241 : memref<128xi32, #tpu.memory_space<vmem>>) semaphore(%arg27 : memref<!tpu.dma_semaphore, #tpu.memory_space<semaphore_mem>>)
      %mul3A_245 = arith.constant 64 : i32
      %mul3A_246 = arith.muli %mul3A_179, %mul3A_245 : i32
      %add3A_247 = arith.constant 128 : i32
      %add3A_248 = arith.addi %mul3A_246, %add3A_247 : i32
      %dma_start3A_249 = arith.constant 128 : i32
      %dma_start3A_250 = arith.constant 0 : i32
      %dma_start3A_251 = tpu.memref_slice %arg22[%dma_start3A_249, %dma_start3A_250] : memref<768x48xf32, #tpu.memory_space<vmem>> -> memref<128x48xf32, #tpu.memory_space<vmem>>
      %dma_start3A_252 = tpu.memref_slice %arg19[%add3A_248] : memref<4608xi32, #tpu.memory_space<vmem>> -> memref<128xi32, #tpu.memory_space<vmem>>
      %dma_start3A_253 = arith.constant 0 : i32
      %dma_start3A_254 = arith.constant 0 : i32
      %dma_start3A_255 = tpu.memref_slice %arg7[%dma_start3A_253, %dma_start3A_254] : memref<16384x48xf32, #tpu.memory_space<hbm>> -> memref<16384x48xf32, #tpu.memory_space<hbm>>
      tpu.enqueue_indirect_dma source(%dma_start3A_255 : memref<16384x48xf32, #tpu.memory_space<hbm>>) target(%dma_start3A_251 : memref<128x48xf32, #tpu.memory_space<vmem>>) offsets(%dma_start3A_252 : memref<128xi32, #tpu.memory_space<vmem>>) semaphore(%arg27 : memref<!tpu.dma_semaphore, #tpu.memory_space<semaphore_mem>>)
      %mul3A_256 = arith.constant 64 : i32
      %mul3A_257 = arith.muli %mul3A_179, %mul3A_256 : i32
      %add3A_258 = arith.constant 256 : i32
      %add3A_259 = arith.addi %mul3A_257, %add3A_258 : i32
      %dma_start3A_260 = arith.constant 256 : i32
      %dma_start3A_261 = arith.constant 0 : i32
      %dma_start3A_262 = tpu.memref_slice %arg22[%dma_start3A_260, %dma_start3A_261] : memref<768x48xf32, #tpu.memory_space<vmem>> -> memref<128x48xf32, #tpu.memory_space<vmem>>
      %dma_start3A_263 = tpu.memref_slice %arg19[%add3A_259] : memref<4608xi32, #tpu.memory_space<vmem>> -> memref<128xi32, #tpu.memory_space<vmem>>
      %dma_start3A_264 = arith.constant 0 : i32
      %dma_start3A_265 = arith.constant 0 : i32
      %dma_start3A_266 = tpu.memref_slice %arg7[%dma_start3A_264, %dma_start3A_265] : memref<16384x48xf32, #tpu.memory_space<hbm>> -> memref<16384x48xf32, #tpu.memory_space<hbm>>
      tpu.enqueue_indirect_dma source(%dma_start3A_266 : memref<16384x48xf32, #tpu.memory_space<hbm>>) target(%dma_start3A_262 : memref<128x48xf32, #tpu.memory_space<vmem>>) offsets(%dma_start3A_263 : memref<128xi32, #tpu.memory_space<vmem>>) semaphore(%arg27 : memref<!tpu.dma_semaphore, #tpu.memory_space<semaphore_mem>>)
      %mul3A_267 = arith.constant 64 : i32
      %mul3A_268 = arith.muli %mul3A_179, %mul3A_267 : i32
      %add3A_269 = arith.constant 384 : i32
      %add3A_270 = arith.addi %mul3A_268, %add3A_269 : i32
      %dma_start3A_271 = arith.constant 384 : i32
      %dma_start3A_272 = arith.constant 0 : i32
      %dma_start3A_273 = tpu.memref_slice %arg22[%dma_start3A_271, %dma_start3A_272] : memref<768x48xf32, #tpu.memory_space<vmem>> -> memref<128x48xf32, #tpu.memory_space<vmem>>
      %dma_start3A_274 = tpu.memref_slice %arg19[%add3A_270] : memref<4608xi32, #tpu.memory_space<vmem>> -> memref<128xi32, #tpu.memory_space<vmem>>
      %dma_start3A_275 = arith.constant 0 : i32
      %dma_start3A_276 = arith.constant 0 : i32
      %dma_start3A_277 = tpu.memref_slice %arg7[%dma_start3A_275, %dma_start3A_276] : memref<16384x48xf32, #tpu.memory_space<hbm>> -> memref<16384x48xf32, #tpu.memory_space<hbm>>
      tpu.enqueue_indirect_dma source(%dma_start3A_277 : memref<16384x48xf32, #tpu.memory_space<hbm>>) target(%dma_start3A_273 : memref<128x48xf32, #tpu.memory_space<vmem>>) offsets(%dma_start3A_274 : memref<128xi32, #tpu.memory_space<vmem>>) semaphore(%arg27 : memref<!tpu.dma_semaphore, #tpu.memory_space<semaphore_mem>>)
      %mul3A_278 = arith.constant 64 : i32
      %mul3A_279 = arith.muli %mul3A_179, %mul3A_278 : i32
      %add3A_280 = arith.constant 512 : i32
      %add3A_281 = arith.addi %mul3A_279, %add3A_280 : i32
      %dma_start3A_282 = arith.constant 512 : i32
      %dma_start3A_283 = arith.constant 0 : i32
      %dma_start3A_284 = tpu.memref_slice %arg22[%dma_start3A_282, %dma_start3A_283] : memref<768x48xf32, #tpu.memory_space<vmem>> -> memref<128x48xf32, #tpu.memory_space<vmem>>
      %dma_start3A_285 = tpu.memref_slice %arg19[%add3A_281] : memref<4608xi32, #tpu.memory_space<vmem>> -> memref<128xi32, #tpu.memory_space<vmem>>
      %dma_start3A_286 = arith.constant 0 : i32
      %dma_start3A_287 = arith.constant 0 : i32
      %dma_start3A_288 = tpu.memref_slice %arg7[%dma_start3A_286, %dma_start3A_287] : memref<16384x48xf32, #tpu.memory_space<hbm>> -> memref<16384x48xf32, #tpu.memory_space<hbm>>
      tpu.enqueue_indirect_dma source(%dma_start3A_288 : memref<16384x48xf32, #tpu.memory_space<hbm>>) target(%dma_start3A_284 : memref<128x48xf32, #tpu.memory_space<vmem>>) offsets(%dma_start3A_285 : memref<128xi32, #tpu.memory_space<vmem>>) semaphore(%arg27 : memref<!tpu.dma_semaphore, #tpu.memory_space<semaphore_mem>>)
      %mul3A_289 = arith.constant 64 : i32
      %mul3A_290 = arith.muli %mul3A_179, %mul3A_289 : i32
      %add3A_291 = arith.constant 640 : i32
      %add3A_292 = arith.addi %mul3A_290, %add3A_291 : i32
      %dma_start3A_293 = arith.constant 640 : i32
      %dma_start3A_294 = arith.constant 0 : i32
      %dma_start3A_295 = tpu.memref_slice %arg22[%dma_start3A_293, %dma_start3A_294] : memref<768x48xf32, #tpu.memory_space<vmem>> -> memref<128x48xf32, #tpu.memory_space<vmem>>
      %dma_start3A_296 = tpu.memref_slice %arg19[%add3A_292] : memref<4608xi32, #tpu.memory_space<vmem>> -> memref<128xi32, #tpu.memory_space<vmem>>
      %dma_start3A_297 = arith.constant 0 : i32
      %dma_start3A_298 = arith.constant 0 : i32
      %dma_start3A_299 = tpu.memref_slice %arg7[%dma_start3A_297, %dma_start3A_298] : memref<16384x48xf32, #tpu.memory_space<hbm>> -> memref<16384x48xf32, #tpu.memory_space<hbm>>
      tpu.enqueue_indirect_dma source(%dma_start3A_299 : memref<16384x48xf32, #tpu.memory_space<hbm>>) target(%dma_start3A_295 : memref<128x48xf32, #tpu.memory_space<vmem>>) offsets(%dma_start3A_296 : memref<128xi32, #tpu.memory_space<vmem>>) semaphore(%arg27 : memref<!tpu.dma_semaphore, #tpu.memory_space<semaphore_mem>>)
      %dma_wait3A = arith.constant 0 : i32
      %dma_wait3A_300 = arith.constant 0 : i32
      %dma_wait3A_301 = tpu.memref_slice %arg20[%dma_wait3A, %dma_wait3A_300] : memref<192x48xf32, #tpu.memory_space<vmem>> -> memref<96x48xf32, #tpu.memory_space<vmem>>
      %dma_wait3A_302 = tpu.memref_slice %arg17[%add3A_183] : memref<1152xi32, #tpu.memory_space<vmem>> -> memref<96xi32, #tpu.memory_space<vmem>>
      %dma_wait3A_303 = arith.constant 0 : i32
      %dma_wait3A_304 = arith.constant 0 : i32
      %dma_wait3A_305 = tpu.memref_slice %arg7[%dma_wait3A_303, %dma_wait3A_304] : memref<16384x48xf32, #tpu.memory_space<hbm>> -> memref<16384x48xf32, #tpu.memory_space<hbm>>
      tpu.wait_indirect_dma semaphore(%arg27 : memref<!tpu.dma_semaphore, #tpu.memory_space<semaphore_mem>>) src(%dma_wait3A_305 : memref<16384x48xf32, #tpu.memory_space<hbm>>) dst(%dma_wait3A_301 : memref<96x48xf32, #tpu.memory_space<vmem>>)
      %dma_wait3A_306 = arith.constant 96 : i32
      %dma_wait3A_307 = arith.constant 0 : i32
      %dma_wait3A_308 = tpu.memref_slice %arg20[%dma_wait3A_306, %dma_wait3A_307] : memref<192x48xf32, #tpu.memory_space<vmem>> -> memref<96x48xf32, #tpu.memory_space<vmem>>
      %dma_wait3A_309 = tpu.memref_slice %arg17[%add3A_193] : memref<1152xi32, #tpu.memory_space<vmem>> -> memref<96xi32, #tpu.memory_space<vmem>>
      %dma_wait3A_310 = arith.constant 0 : i32
      %dma_wait3A_311 = arith.constant 0 : i32
      %dma_wait3A_312 = tpu.memref_slice %arg7[%dma_wait3A_310, %dma_wait3A_311] : memref<16384x48xf32, #tpu.memory_space<hbm>> -> memref<16384x48xf32, #tpu.memory_space<hbm>>
      tpu.wait_indirect_dma semaphore(%arg27 : memref<!tpu.dma_semaphore, #tpu.memory_space<semaphore_mem>>) src(%dma_wait3A_312 : memref<16384x48xf32, #tpu.memory_space<hbm>>) dst(%dma_wait3A_308 : memref<96x48xf32, #tpu.memory_space<vmem>>)
      %dma_wait3A_313 = arith.constant 0 : i32
      %dma_wait3A_314 = arith.constant 0 : i32
      %dma_wait3A_315 = tpu.memref_slice %arg21[%dma_wait3A_313, %dma_wait3A_314] : memref<384x48xf32, #tpu.memory_space<vmem>> -> memref<128x48xf32, #tpu.memory_space<vmem>>
      %dma_wait3A_316 = tpu.memref_slice %arg18[%add3A_204] : memref<2304xi32, #tpu.memory_space<vmem>> -> memref<128xi32, #tpu.memory_space<vmem>>
      %dma_wait3A_317 = arith.constant 0 : i32
      %dma_wait3A_318 = arith.constant 0 : i32
      %dma_wait3A_319 = tpu.memref_slice %arg7[%dma_wait3A_317, %dma_wait3A_318] : memref<16384x48xf32, #tpu.memory_space<hbm>> -> memref<16384x48xf32, #tpu.memory_space<hbm>>
      tpu.wait_indirect_dma semaphore(%arg27 : memref<!tpu.dma_semaphore, #tpu.memory_space<semaphore_mem>>) src(%dma_wait3A_319 : memref<16384x48xf32, #tpu.memory_space<hbm>>) dst(%dma_wait3A_315 : memref<128x48xf32, #tpu.memory_space<vmem>>)
      %dma_wait3A_320 = arith.constant 128 : i32
      %dma_wait3A_321 = arith.constant 0 : i32
      %dma_wait3A_322 = tpu.memref_slice %arg21[%dma_wait3A_320, %dma_wait3A_321] : memref<384x48xf32, #tpu.memory_space<vmem>> -> memref<128x48xf32, #tpu.memory_space<vmem>>
      %dma_wait3A_323 = tpu.memref_slice %arg18[%add3A_215] : memref<2304xi32, #tpu.memory_space<vmem>> -> memref<128xi32, #tpu.memory_space<vmem>>
      %dma_wait3A_324 = arith.constant 0 : i32
      %dma_wait3A_325 = arith.constant 0 : i32
      %dma_wait3A_326 = tpu.memref_slice %arg7[%dma_wait3A_324, %dma_wait3A_325] : memref<16384x48xf32, #tpu.memory_space<hbm>> -> memref<16384x48xf32, #tpu.memory_space<hbm>>
      tpu.wait_indirect_dma semaphore(%arg27 : memref<!tpu.dma_semaphore, #tpu.memory_space<semaphore_mem>>) src(%dma_wait3A_326 : memref<16384x48xf32, #tpu.memory_space<hbm>>) dst(%dma_wait3A_322 : memref<128x48xf32, #tpu.memory_space<vmem>>)
      %dma_wait3A_327 = arith.constant 256 : i32
      %dma_wait3A_328 = arith.constant 0 : i32
      %dma_wait3A_329 = tpu.memref_slice %arg21[%dma_wait3A_327, %dma_wait3A_328] : memref<384x48xf32, #tpu.memory_space<vmem>> -> memref<128x48xf32, #tpu.memory_space<vmem>>
      %dma_wait3A_330 = tpu.memref_slice %arg18[%add3A_226] : memref<2304xi32, #tpu.memory_space<vmem>> -> memref<128xi32, #tpu.memory_space<vmem>>
      %dma_wait3A_331 = arith.constant 0 : i32
      %dma_wait3A_332 = arith.constant 0 : i32
      %dma_wait3A_333 = tpu.memref_slice %arg7[%dma_wait3A_331, %dma_wait3A_332] : memref<16384x48xf32, #tpu.memory_space<hbm>> -> memref<16384x48xf32, #tpu.memory_space<hbm>>
      tpu.wait_indirect_dma semaphore(%arg27 : memref<!tpu.dma_semaphore, #tpu.memory_space<semaphore_mem>>) src(%dma_wait3A_333 : memref<16384x48xf32, #tpu.memory_space<hbm>>) dst(%dma_wait3A_329 : memref<128x48xf32, #tpu.memory_space<vmem>>)
      %dma_wait3A_334 = arith.constant 0 : i32
      %dma_wait3A_335 = arith.constant 0 : i32
      %dma_wait3A_336 = tpu.memref_slice %arg22[%dma_wait3A_334, %dma_wait3A_335] : memref<768x48xf32, #tpu.memory_space<vmem>> -> memref<128x48xf32, #tpu.memory_space<vmem>>
      %dma_wait3A_337 = tpu.memref_slice %arg19[%add3A_237] : memref<4608xi32, #tpu.memory_space<vmem>> -> memref<128xi32, #tpu.memory_space<vmem>>
      %dma_wait3A_338 = arith.constant 0 : i32
      %dma_wait3A_339 = arith.constant 0 : i32
      %dma_wait3A_340 = tpu.memref_slice %arg7[%dma_wait3A_338, %dma_wait3A_339] : memref<16384x48xf32, #tpu.memory_space<hbm>> -> memref<16384x48xf32, #tpu.memory_space<hbm>>
      tpu.wait_indirect_dma semaphore(%arg27 : memref<!tpu.dma_semaphore, #tpu.memory_space<semaphore_mem>>) src(%dma_wait3A_340 : memref<16384x48xf32, #tpu.memory_space<hbm>>) dst(%dma_wait3A_336 : memref<128x48xf32, #tpu.memory_space<vmem>>)
      %dma_wait3A_341 = arith.constant 128 : i32
      %dma_wait3A_342 = arith.constant 0 : i32
      %dma_wait3A_343 = tpu.memref_slice %arg22[%dma_wait3A_341, %dma_wait3A_342] : memref<768x48xf32, #tpu.memory_space<vmem>> -> memref<128x48xf32, #tpu.memory_space<vmem>>
      %dma_wait3A_344 = tpu.memref_slice %arg19[%add3A_248] : memref<4608xi32, #tpu.memory_space<vmem>> -> memref<128xi32, #tpu.memory_space<vmem>>
      %dma_wait3A_345 = arith.constant 0 : i32
      %dma_wait3A_346 = arith.constant 0 : i32
      %dma_wait3A_347 = tpu.memref_slice %arg7[%dma_wait3A_345, %dma_wait3A_346] : memref<16384x48xf32, #tpu.memory_space<hbm>> -> memref<16384x48xf32, #tpu.memory_space<hbm>>
      tpu.wait_indirect_dma semaphore(%arg27 : memref<!tpu.dma_semaphore, #tpu.memory_space<semaphore_mem>>) src(%dma_wait3A_347 : memref<16384x48xf32, #tpu.memory_space<hbm>>) dst(%dma_wait3A_343 : memref<128x48xf32, #tpu.memory_space<vmem>>)
      %dma_wait3A_348 = arith.constant 256 : i32
      %dma_wait3A_349 = arith.constant 0 : i32
      %dma_wait3A_350 = tpu.memref_slice %arg22[%dma_wait3A_348, %dma_wait3A_349] : memref<768x48xf32, #tpu.memory_space<vmem>> -> memref<128x48xf32, #tpu.memory_space<vmem>>
      %dma_wait3A_351 = tpu.memref_slice %arg19[%add3A_259] : memref<4608xi32, #tpu.memory_space<vmem>> -> memref<128xi32, #tpu.memory_space<vmem>>
      %dma_wait3A_352 = arith.constant 0 : i32
      %dma_wait3A_353 = arith.constant 0 : i32
      %dma_wait3A_354 = tpu.memref_slice %arg7[%dma_wait3A_352, %dma_wait3A_353] : memref<16384x48xf32, #tpu.memory_space<hbm>> -> memref<16384x48xf32, #tpu.memory_space<hbm>>
      tpu.wait_indirect_dma semaphore(%arg27 : memref<!tpu.dma_semaphore, #tpu.memory_space<semaphore_mem>>) src(%dma_wait3A_354 : memref<16384x48xf32, #tpu.memory_space<hbm>>) dst(%dma_wait3A_350 : memref<128x48xf32, #tpu.memory_space<vmem>>)
      %dma_wait3A_355 = arith.constant 384 : i32
      %dma_wait3A_356 = arith.constant 0 : i32
      %dma_wait3A_357 = tpu.memref_slice %arg22[%dma_wait3A_355, %dma_wait3A_356] : memref<768x48xf32, #tpu.memory_space<vmem>> -> memref<128x48xf32, #tpu.memory_space<vmem>>
      %dma_wait3A_358 = tpu.memref_slice %arg19[%add3A_270] : memref<4608xi32, #tpu.memory_space<vmem>> -> memref<128xi32, #tpu.memory_space<vmem>>
      %dma_wait3A_359 = arith.constant 0 : i32
      %dma_wait3A_360 = arith.constant 0 : i32
      %dma_wait3A_361 = tpu.memref_slice %arg7[%dma_wait3A_359, %dma_wait3A_360] : memref<16384x48xf32, #tpu.memory_space<hbm>> -> memref<16384x48xf32, #tpu.memory_space<hbm>>
      tpu.wait_indirect_dma semaphore(%arg27 : memref<!tpu.dma_semaphore, #tpu.memory_space<semaphore_mem>>) src(%dma_wait3A_361 : memref<16384x48xf32, #tpu.memory_space<hbm>>) dst(%dma_wait3A_357 : memref<128x48xf32, #tpu.memory_space<vmem>>)
      %dma_wait3A_362 = arith.constant 512 : i32
      %dma_wait3A_363 = arith.constant 0 : i32
      %dma_wait3A_364 = tpu.memref_slice %arg22[%dma_wait3A_362, %dma_wait3A_363] : memref<768x48xf32, #tpu.memory_space<vmem>> -> memref<128x48xf32, #tpu.memory_space<vmem>>
      %dma_wait3A_365 = tpu.memref_slice %arg19[%add3A_281] : memref<4608xi32, #tpu.memory_space<vmem>> -> memref<128xi32, #tpu.memory_space<vmem>>
      %dma_wait3A_366 = arith.constant 0 : i32
      %dma_wait3A_367 = arith.constant 0 : i32
      %dma_wait3A_368 = tpu.memref_slice %arg7[%dma_wait3A_366, %dma_wait3A_367] : memref<16384x48xf32, #tpu.memory_space<hbm>> -> memref<16384x48xf32, #tpu.memory_space<hbm>>
      tpu.wait_indirect_dma semaphore(%arg27 : memref<!tpu.dma_semaphore, #tpu.memory_space<semaphore_mem>>) src(%dma_wait3A_368 : memref<16384x48xf32, #tpu.memory_space<hbm>>) dst(%dma_wait3A_364 : memref<128x48xf32, #tpu.memory_space<vmem>>)
      %dma_wait3A_369 = arith.constant 640 : i32
      %dma_wait3A_370 = arith.constant 0 : i32
      %dma_wait3A_371 = tpu.memref_slice %arg22[%dma_wait3A_369, %dma_wait3A_370] : memref<768x48xf32, #tpu.memory_space<vmem>> -> memref<128x48xf32, #tpu.memory_space<vmem>>
      %dma_wait3A_372 = tpu.memref_slice %arg19[%add3A_292] : memref<4608xi32, #tpu.memory_space<vmem>> -> memref<128xi32, #tpu.memory_space<vmem>>
      %dma_wait3A_373 = arith.constant 0 : i32
      %dma_wait3A_374 = arith.constant 0 : i32
      %dma_wait3A_375 = tpu.memref_slice %arg7[%dma_wait3A_373, %dma_wait3A_374] : memref<16384x48xf32, #tpu.memory_space<hbm>> -> memref<16384x48xf32, #tpu.memory_space<hbm>>
      tpu.wait_indirect_dma semaphore(%arg27 : memref<!tpu.dma_semaphore, #tpu.memory_space<semaphore_mem>>) src(%dma_wait3A_375 : memref<16384x48xf32, #tpu.memory_space<hbm>>) dst(%dma_wait3A_371 : memref<128x48xf32, #tpu.memory_space<vmem>>)
      %add3A_376 = arith.addi %mul3A_18, %mul3A_179 : i32
      %mul3A_377 = arith.constant 16 : i32
      %mul3A_378 = arith.muli %add3A_376, %mul3A_377 : i32
      "tpu.region"() ({
        %run_scoped3A = tpu.sem_alloc : memref<!tpu.dma_semaphore, #tpu.memory_space<semaphore_mem>>
        %dma_start3A_386 = arith.constant 0 : i32
        %dma_start3A_387 = tpu.memref_slice %arg9[%mul3A_378, %dma_start3A_386] : memref<36864x48xf32, #tpu.memory_space<hbm>> -> memref<192x48xf32, #tpu.memory_space<hbm>>
        %dma_start3A_388 = arith.constant 0 : i32
        %dma_start3A_389 = tpu.memref_slice %arg9[%mul3A_378, %dma_start3A_388] : memref<36864x48xf32, #tpu.memory_space<hbm>> -> memref<192x48xf32, #tpu.memory_space<hbm>>
        tpu.enqueue_dma source(%arg20 : memref<192x48xf32, #tpu.memory_space<vmem>>) target(%dma_start3A_389 : memref<192x48xf32, #tpu.memory_space<hbm>>) target_semaphore(%run_scoped3A : memref<!tpu.dma_semaphore, #tpu.memory_space<semaphore_mem>>)
        %dma_wait3A_390 = arith.constant 0 : i32
        %dma_wait3A_391 = tpu.memref_slice %arg9[%mul3A_378, %dma_wait3A_390] : memref<36864x48xf32, #tpu.memory_space<hbm>> -> memref<192x48xf32, #tpu.memory_space<hbm>>
        %dma_wait3A_392 = arith.constant 0 : i32
        %dma_wait3A_393 = tpu.memref_slice %arg9[%mul3A_378, %dma_wait3A_392] : memref<36864x48xf32, #tpu.memory_space<hbm>> -> memref<192x48xf32, #tpu.memory_space<hbm>>
        tpu.wait_dma2 semaphore(%run_scoped3A : memref<!tpu.dma_semaphore, #tpu.memory_space<semaphore_mem>>) src(%arg20 : memref<192x48xf32, #tpu.memory_space<vmem>>) dst(%dma_wait3A_393 : memref<192x48xf32, #tpu.memory_space<hbm>>)
        tpu.yield
      }) : () -> ()
      %add3A_379 = arith.addi %mul3A_18, %mul3A_179 : i32
      %mul3A_380 = arith.constant 32 : i32
      %mul3A_381 = arith.muli %add3A_379, %mul3A_380 : i32
      "tpu.region"() ({
        %run_scoped3A = tpu.sem_alloc : memref<!tpu.dma_semaphore, #tpu.memory_space<semaphore_mem>>
        %dma_start3A_386 = arith.constant 0 : i32
        %dma_start3A_387 = tpu.memref_slice %arg10[%mul3A_381, %dma_start3A_386] : memref<73728x48xf32, #tpu.memory_space<hbm>> -> memref<384x48xf32, #tpu.memory_space<hbm>>
        %dma_start3A_388 = arith.constant 0 : i32
        %dma_start3A_389 = tpu.memref_slice %arg10[%mul3A_381, %dma_start3A_388] : memref<73728x48xf32, #tpu.memory_space<hbm>> -> memref<384x48xf32, #tpu.memory_space<hbm>>
        tpu.enqueue_dma source(%arg21 : memref<384x48xf32, #tpu.memory_space<vmem>>) target(%dma_start3A_389 : memref<384x48xf32, #tpu.memory_space<hbm>>) target_semaphore(%run_scoped3A : memref<!tpu.dma_semaphore, #tpu.memory_space<semaphore_mem>>)
        %dma_wait3A_390 = arith.constant 0 : i32
        %dma_wait3A_391 = tpu.memref_slice %arg10[%mul3A_381, %dma_wait3A_390] : memref<73728x48xf32, #tpu.memory_space<hbm>> -> memref<384x48xf32, #tpu.memory_space<hbm>>
        %dma_wait3A_392 = arith.constant 0 : i32
        %dma_wait3A_393 = tpu.memref_slice %arg10[%mul3A_381, %dma_wait3A_392] : memref<73728x48xf32, #tpu.memory_space<hbm>> -> memref<384x48xf32, #tpu.memory_space<hbm>>
        tpu.wait_dma2 semaphore(%run_scoped3A : memref<!tpu.dma_semaphore, #tpu.memory_space<semaphore_mem>>) src(%arg21 : memref<384x48xf32, #tpu.memory_space<vmem>>) dst(%dma_wait3A_393 : memref<384x48xf32, #tpu.memory_space<hbm>>)
        tpu.yield
      }) : () -> ()
      %add3A_382 = arith.addi %mul3A_18, %mul3A_179 : i32
      %mul3A_383 = arith.constant 64 : i32
      %mul3A_384 = arith.muli %add3A_382, %mul3A_383 : i32
      "tpu.region"() ({
        %run_scoped3A = tpu.sem_alloc : memref<!tpu.dma_semaphore, #tpu.memory_space<semaphore_mem>>
        %dma_start3A_386 = arith.constant 0 : i32
        %dma_start3A_387 = tpu.memref_slice %arg11[%mul3A_384, %dma_start3A_386] : memref<147456x48xf32, #tpu.memory_space<hbm>> -> memref<768x48xf32, #tpu.memory_space<hbm>>
        %dma_start3A_388 = arith.constant 0 : i32
        %dma_start3A_389 = tpu.memref_slice %arg11[%mul3A_384, %dma_start3A_388] : memref<147456x48xf32, #tpu.memory_space<hbm>> -> memref<768x48xf32, #tpu.memory_space<hbm>>
        tpu.enqueue_dma source(%arg22 : memref<768x48xf32, #tpu.memory_space<vmem>>) target(%dma_start3A_389 : memref<768x48xf32, #tpu.memory_space<hbm>>) target_semaphore(%run_scoped3A : memref<!tpu.dma_semaphore, #tpu.memory_space<semaphore_mem>>)
        %dma_wait3A_390 = arith.constant 0 : i32
        %dma_wait3A_391 = tpu.memref_slice %arg11[%mul3A_384, %dma_wait3A_390] : memref<147456x48xf32, #tpu.memory_space<hbm>> -> memref<768x48xf32, #tpu.memory_space<hbm>>
        %dma_wait3A_392 = arith.constant 0 : i32
        %dma_wait3A_393 = tpu.memref_slice %arg11[%mul3A_384, %dma_wait3A_392] : memref<147456x48xf32, #tpu.memory_space<hbm>> -> memref<768x48xf32, #tpu.memory_space<hbm>>
        tpu.wait_dma2 semaphore(%run_scoped3A : memref<!tpu.dma_semaphore, #tpu.memory_space<semaphore_mem>>) src(%arg22 : memref<768x48xf32, #tpu.memory_space<vmem>>) dst(%dma_wait3A_393 : memref<768x48xf32, #tpu.memory_space<hbm>>)
        tpu.yield
      }) : () -> ()
      %scan3A_385 = arith.constant 0 : i32
      scf.yield %scan3A_385 : i32
    }
    %scan3A_171 = arith.constant 6 : i32
    "tpu.region"() ({
      %run_scoped3A = tpu.sem_alloc : memref<!tpu.dma_semaphore, #tpu.memory_space<semaphore_mem>>
      %dma_start3A = arith.constant 0 : i32
      %dma_start3A_176 = tpu.memref_slice %arg24[%dma_start3A] : memref<88xf32, #tpu.memory_space<vmem>> -> memref<72xf32, #tpu.memory_space<vmem>>
      %dma_start3A_177 = tpu.memref_slice %arg8[%mul3A_18] : memref<6912xf32, #tpu.memory_space<hbm>> -> memref<72xf32, #tpu.memory_space<hbm>>
      %dma_start3A_178 = tpu.memref_slice %arg8[%mul3A_18] : memref<6912xf32, #tpu.memory_space<hbm>> -> memref<72xf32, #tpu.memory_space<hbm>>
      %dma_start3A_179 = arith.constant 0 : i32
      %dma_start3A_180 = tpu.memref_slice %arg24[%dma_start3A_179] : memref<88xf32, #tpu.memory_space<vmem>> -> memref<72xf32, #tpu.memory_space<vmem>>
      tpu.enqueue_dma source(%dma_start3A_180 : memref<72xf32, #tpu.memory_space<vmem>>) target(%dma_start3A_178 : memref<72xf32, #tpu.memory_space<hbm>>) target_semaphore(%run_scoped3A : memref<!tpu.dma_semaphore, #tpu.memory_space<semaphore_mem>>)
      %dma_wait3A = arith.constant 0 : i32
      %dma_wait3A_181 = tpu.memref_slice %arg24[%dma_wait3A] : memref<88xf32, #tpu.memory_space<vmem>> -> memref<72xf32, #tpu.memory_space<vmem>>
      %dma_wait3A_182 = tpu.memref_slice %arg8[%mul3A_18] : memref<6912xf32, #tpu.memory_space<hbm>> -> memref<72xf32, #tpu.memory_space<hbm>>
      %dma_wait3A_183 = tpu.memref_slice %arg8[%mul3A_18] : memref<6912xf32, #tpu.memory_space<hbm>> -> memref<72xf32, #tpu.memory_space<hbm>>
      %dma_wait3A_184 = arith.constant 0 : i32
      %dma_wait3A_185 = tpu.memref_slice %arg24[%dma_wait3A_184] : memref<88xf32, #tpu.memory_space<vmem>> -> memref<72xf32, #tpu.memory_space<vmem>>
      tpu.wait_dma2 semaphore(%run_scoped3A : memref<!tpu.dma_semaphore, #tpu.memory_space<semaphore_mem>>) src(%dma_wait3A_185 : memref<72xf32, #tpu.memory_space<vmem>>) dst(%dma_wait3A_183 : memref<72xf32, #tpu.memory_space<hbm>>)
      tpu.yield
    }) : () -> ()
    %add3A_172 = arith.constant 2304 : i32
    %add3A_173 = arith.addi %add3A_172, %mul3A_18 : i32
    "tpu.region"() ({
      %run_scoped3A = tpu.sem_alloc : memref<!tpu.dma_semaphore, #tpu.memory_space<semaphore_mem>>
      %dma_start3A = arith.constant 0 : i32
      %dma_start3A_176 = tpu.memref_slice %arg25[%dma_start3A] : memref<88xf32, #tpu.memory_space<vmem>> -> memref<72xf32, #tpu.memory_space<vmem>>
      %dma_start3A_177 = tpu.memref_slice %arg8[%add3A_173] : memref<6912xf32, #tpu.memory_space<hbm>> -> memref<72xf32, #tpu.memory_space<hbm>>
      %dma_start3A_178 = tpu.memref_slice %arg8[%add3A_173] : memref<6912xf32, #tpu.memory_space<hbm>> -> memref<72xf32, #tpu.memory_space<hbm>>
      %dma_start3A_179 = arith.constant 0 : i32
      %dma_start3A_180 = tpu.memref_slice %arg25[%dma_start3A_179] : memref<88xf32, #tpu.memory_space<vmem>> -> memref<72xf32, #tpu.memory_space<vmem>>
      tpu.enqueue_dma source(%dma_start3A_180 : memref<72xf32, #tpu.memory_space<vmem>>) target(%dma_start3A_178 : memref<72xf32, #tpu.memory_space<hbm>>) target_semaphore(%run_scoped3A : memref<!tpu.dma_semaphore, #tpu.memory_space<semaphore_mem>>)
      %dma_wait3A = arith.constant 0 : i32
      %dma_wait3A_181 = tpu.memref_slice %arg25[%dma_wait3A] : memref<88xf32, #tpu.memory_space<vmem>> -> memref<72xf32, #tpu.memory_space<vmem>>
      %dma_wait3A_182 = tpu.memref_slice %arg8[%add3A_173] : memref<6912xf32, #tpu.memory_space<hbm>> -> memref<72xf32, #tpu.memory_space<hbm>>
      %dma_wait3A_183 = tpu.memref_slice %arg8[%add3A_173] : memref<6912xf32, #tpu.memory_space<hbm>> -> memref<72xf32, #tpu.memory_space<hbm>>
      %dma_wait3A_184 = arith.constant 0 : i32
      %dma_wait3A_185 = tpu.memref_slice %arg25[%dma_wait3A_184] : memref<88xf32, #tpu.memory_space<vmem>> -> memref<72xf32, #tpu.memory_space<vmem>>
      tpu.wait_dma2 semaphore(%run_scoped3A : memref<!tpu.dma_semaphore, #tpu.memory_space<semaphore_mem>>) src(%dma_wait3A_185 : memref<72xf32, #tpu.memory_space<vmem>>) dst(%dma_wait3A_183 : memref<72xf32, #tpu.memory_space<hbm>>)
      tpu.yield
    }) : () -> ()
    %add3A_174 = arith.constant 4608 : i32
    %add3A_175 = arith.addi %add3A_174, %mul3A_18 : i32
    "tpu.region"() ({
      %run_scoped3A = tpu.sem_alloc : memref<!tpu.dma_semaphore, #tpu.memory_space<semaphore_mem>>
      %dma_start3A = arith.constant 0 : i32
      %dma_start3A_176 = tpu.memref_slice %arg26[%dma_start3A] : memref<88xf32, #tpu.memory_space<vmem>> -> memref<72xf32, #tpu.memory_space<vmem>>
      %dma_start3A_177 = tpu.memref_slice %arg8[%add3A_175] : memref<6912xf32, #tpu.memory_space<hbm>> -> memref<72xf32, #tpu.memory_space<hbm>>
      %dma_start3A_178 = tpu.memref_slice %arg8[%add3A_175] : memref<6912xf32, #tpu.memory_space<hbm>> -> memref<72xf32, #tpu.memory_space<hbm>>
      %dma_start3A_179 = arith.constant 0 : i32
      %dma_start3A_180 = tpu.memref_slice %arg26[%dma_start3A_179] : memref<88xf32, #tpu.memory_space<vmem>> -> memref<72xf32, #tpu.memory_space<vmem>>
      tpu.enqueue_dma source(%dma_start3A_180 : memref<72xf32, #tpu.memory_space<vmem>>) target(%dma_start3A_178 : memref<72xf32, #tpu.memory_space<hbm>>) target_semaphore(%run_scoped3A : memref<!tpu.dma_semaphore, #tpu.memory_space<semaphore_mem>>)
      %dma_wait3A = arith.constant 0 : i32
      %dma_wait3A_181 = tpu.memref_slice %arg26[%dma_wait3A] : memref<88xf32, #tpu.memory_space<vmem>> -> memref<72xf32, #tpu.memory_space<vmem>>
      %dma_wait3A_182 = tpu.memref_slice %arg8[%add3A_175] : memref<6912xf32, #tpu.memory_space<hbm>> -> memref<72xf32, #tpu.memory_space<hbm>>
      %dma_wait3A_183 = tpu.memref_slice %arg8[%add3A_175] : memref<6912xf32, #tpu.memory_space<hbm>> -> memref<72xf32, #tpu.memory_space<hbm>>
      %dma_wait3A_184 = arith.constant 0 : i32
      %dma_wait3A_185 = tpu.memref_slice %arg26[%dma_wait3A_184] : memref<88xf32, #tpu.memory_space<vmem>> -> memref<72xf32, #tpu.memory_space<vmem>>
      tpu.wait_dma2 semaphore(%run_scoped3A : memref<!tpu.dma_semaphore, #tpu.memory_space<semaphore_mem>>) src(%dma_wait3A_185 : memref<72xf32, #tpu.memory_space<vmem>>) dst(%dma_wait3A_183 : memref<72xf32, #tpu.memory_space<hbm>>)
      tpu.yield
    }) : () -> ()
    return
  }
}

module attributes {stable_mosaic.version = 14 : i64} {
  func.func @_tc_body(%arg0: i32, %arg1: memref<2048x48xf32, #tpu.memory_space<vmem>>, %arg2: memref<4096x48xf32, #tpu.memory_space<vmem>>, %arg3: memref<8192x48xf32, #tpu.memory_space<vmem>>, %arg4: memref<128x8xf32, #tpu.memory_space<vmem>>, %arg5: memref<48x32xf32, #tpu.memory_space<vmem>>, %arg6: memref<32x32xf32, #tpu.memory_space<vmem>>, %arg7: memref<32x64xf32, #tpu.memory_space<vmem>>, %arg8: memref<8x32xf32, #tpu.memory_space<vmem>>, %arg9: memref<48x64xf32, #tpu.memory_space<vmem>>, %arg10: memref<64x64xf32, #tpu.memory_space<vmem>>, %arg11: memref<64x128xf32, #tpu.memory_space<vmem>>, %arg12: memref<8x64xf32, #tpu.memory_space<vmem>>, %arg13: memref<48x64xf32, #tpu.memory_space<vmem>>, %arg14: memref<64x96xf32, #tpu.memory_space<vmem>>, %arg15: memref<96x128xf32, #tpu.memory_space<vmem>>, %arg16: memref<8x64xf32, #tpu.memory_space<vmem>>, %arg17: memref<320x256xf32, #tpu.memory_space<vmem>>, %arg18: memref<16x256xf32, #tpu.memory_space<vmem>>, %arg19: memref<128x256xf32, #tpu.memory_space<vmem>>) attributes {dimension_semantics = [#tpu.dimension_semantics<arbitrary>], iteration_bounds = array<i64: 18>, scalar_prefetch = 0 : i64, scratch_operands = 0 : i64, tpu.core_type = #tpu.core_type<tc>, window_params = [{transform_indices = @transform_0, window_bounds = array<i64: 2048, 48>}, {transform_indices = @transform_1, window_bounds = array<i64: 4096, 48>}, {transform_indices = @transform_2, window_bounds = array<i64: 8192, 48>}, {transform_indices = @transform_3, window_bounds = array<i64: 128, 8>}, {pipeline_mode = #tpu.pipeline_mode<synchronous>, transform_indices = @transform_4, window_bounds = array<i64: 48, 32>}, {pipeline_mode = #tpu.pipeline_mode<synchronous>, transform_indices = @transform_5, window_bounds = array<i64: 32, 32>}, {pipeline_mode = #tpu.pipeline_mode<synchronous>, transform_indices = @transform_6, window_bounds = array<i64: 32, 64>}, {pipeline_mode = #tpu.pipeline_mode<synchronous>, transform_indices = @transform_7, window_bounds = array<i64: 8, 32>}, {pipeline_mode = #tpu.pipeline_mode<synchronous>, transform_indices = @transform_8, window_bounds = array<i64: 48, 64>}, {pipeline_mode = #tpu.pipeline_mode<synchronous>, transform_indices = @transform_9, window_bounds = array<i64: 64, 64>}, {pipeline_mode = #tpu.pipeline_mode<synchronous>, transform_indices = @transform_10, window_bounds = array<i64: 64, 128>}, {pipeline_mode = #tpu.pipeline_mode<synchronous>, transform_indices = @transform_11, window_bounds = array<i64: 8, 64>}, {pipeline_mode = #tpu.pipeline_mode<synchronous>, transform_indices = @transform_12, window_bounds = array<i64: 48, 64>}, {pipeline_mode = #tpu.pipeline_mode<synchronous>, transform_indices = @transform_13, window_bounds = array<i64: 64, 96>}, {pipeline_mode = #tpu.pipeline_mode<synchronous>, transform_indices = @transform_14, window_bounds = array<i64: 96, 128>}, {pipeline_mode = #tpu.pipeline_mode<synchronous>, transform_indices = @transform_15, window_bounds = array<i64: 8, 64>}, {pipeline_mode = #tpu.pipeline_mode<synchronous>, transform_indices = @transform_16, window_bounds = array<i64: 320, 256>}, {pipeline_mode = #tpu.pipeline_mode<synchronous>, transform_indices = @transform_17, window_bounds = array<i64: 16, 256>}, {transform_indices = @transform_18, window_bounds = array<i64: 128, 256>}]} {
    %get3A = arith.constant 0 : index
    %get3A_0 = arith.constant 0 : index
    %get3A_1 = vector.load %arg4[%get3A, %get3A_0] : memref<128x8xf32, #tpu.memory_space<vmem>>, vector<128x8xf32>
    %get3A_2 = arith.constant 0 : index
    %get3A_3 = arith.constant 0 : index
    %get3A_4 = vector.load %arg18[%get3A_2, %get3A_3] : memref<16x256xf32, #tpu.memory_space<vmem>>, vector<16x256xf32>
    %get3A_5 = arith.constant 0 : index
    %get3A_6 = arith.constant 0 : index
    %get3A_7 = vector.load %arg1[%get3A_5, %get3A_6] : memref<2048x48xf32, #tpu.memory_space<vmem>>, vector<2048x48xf32>
    %get3A_8 = arith.constant 0 : index
    %get3A_9 = arith.constant 0 : index
    %get3A_10 = vector.load %arg5[%get3A_8, %get3A_9] : memref<48x32xf32, #tpu.memory_space<vmem>>, vector<48x32xf32>
    %get3A_11 = arith.constant 0 : index
    %get3A_12 = arith.constant 0 : index
    %get3A_13 = vector.load %arg8[%get3A_11, %get3A_12] : memref<8x32xf32, #tpu.memory_space<vmem>>, vector<8x32xf32>
    %dot_general3A = arith.constant dense<0.000000e+00> : vector<128x32xf32>
    %dot_general3A_14 = tpu.matmul %get3A_1, %get3A_13, %dot_general3A {dimension_numbers = #tpu.dot_dimension_numbers<[1], [0], [0], [1], [0, 0, 1, 1], [], []>, transpose_lhs_hint = false} : vector<128x8xf32>, vector<8x32xf32>, vector<128x32xf32> -> vector<128x32xf32>
    %dot_general3A_15 = arith.constant dense<0.000000e+00> : vector<2048x32xf32>
    %dot_general3A_16 = tpu.matmul %get3A_7, %get3A_10, %dot_general3A_15 {dimension_numbers = #tpu.dot_dimension_numbers<[1], [0], [0], [1], [0, 0, 1, 1], [], []>, transpose_lhs_hint = false} : vector<2048x48xf32>, vector<48x32xf32>, vector<2048x32xf32> -> vector<2048x32xf32>
    %slice3A = vector.extract_strided_slice %get3A_4 {offsets = [0, 0], sizes = [1, 32], strides = [1, 1]} : vector<16x256xf32> to vector<1x32xf32>
    %squeeze3A = vector.shape_cast %slice3A : vector<1x32xf32> to vector<32xf32>
    %broadcast_in_dim3A = vector.shape_cast %squeeze3A : vector<32xf32> to vector<1x1x32xf32>
    %reshape3A = vector.shape_cast %dot_general3A_16 : vector<2048x32xf32> to vector<128x16x32xf32>
    %broadcast_in_dim3A_17 = vector.shape_cast %dot_general3A_14 : vector<128x32xf32> to vector<128x1x32xf32>
    %sub3A = vector.broadcast %broadcast_in_dim3A_17 : vector<128x1x32xf32> to vector<128x16x32xf32>
    %sub3A_18 = arith.subf %reshape3A, %sub3A : vector<128x16x32xf32>
    %add3A = vector.broadcast %broadcast_in_dim3A : vector<1x1x32xf32> to vector<128x16x32xf32>
    %add3A_19 = arith.addf %sub3A_18, %add3A : vector<128x16x32xf32>
    %max3A = arith.constant 0.000000e+00 : f32
    %max3A_20 = vector.broadcast %max3A : f32 to vector<128x16x32xf32>
    %max3A_21 = arith.maximumf %add3A_19, %max3A_20 : vector<128x16x32xf32>
    %reshape3A_22 = vector.shape_cast %max3A_21 : vector<128x16x32xf32> to vector<2048x32xf32>
    %get3A_23 = arith.constant 0 : index
    %get3A_24 = arith.constant 0 : index
    %get3A_25 = vector.load %arg6[%get3A_23, %get3A_24] : memref<32x32xf32, #tpu.memory_space<vmem>>, vector<32x32xf32>
    %slice3A_26 = vector.extract_strided_slice %get3A_4 {offsets = [1, 0], sizes = [1, 32], strides = [1, 1]} : vector<16x256xf32> to vector<1x32xf32>
    %squeeze3A_27 = vector.shape_cast %slice3A_26 : vector<1x32xf32> to vector<32xf32>
    %broadcast_in_dim3A_28 = vector.shape_cast %squeeze3A_27 : vector<32xf32> to vector<1x32xf32>
    %dot_general3A_29 = arith.constant dense<0.000000e+00> : vector<2048x32xf32>
    %dot_general3A_30 = tpu.matmul %reshape3A_22, %get3A_25, %dot_general3A_29 {dimension_numbers = #tpu.dot_dimension_numbers<[1], [0], [0], [1], [0, 0, 1, 1], [], []>, transpose_lhs_hint = false} : vector<2048x32xf32>, vector<32x32xf32>, vector<2048x32xf32> -> vector<2048x32xf32>
    %add3A_31 = vector.broadcast %broadcast_in_dim3A_28 : vector<1x32xf32> to vector<2048x32xf32>
    %add3A_32 = arith.addf %dot_general3A_30, %add3A_31 : vector<2048x32xf32>
    %max3A_33 = arith.constant 0.000000e+00 : f32
    %max3A_34 = vector.broadcast %max3A_33 : f32 to vector<2048x32xf32>
    %max3A_35 = arith.maximumf %add3A_32, %max3A_34 : vector<2048x32xf32>
    %get3A_36 = arith.constant 0 : index
    %get3A_37 = arith.constant 0 : index
    %get3A_38 = vector.load %arg7[%get3A_36, %get3A_37] : memref<32x64xf32, #tpu.memory_space<vmem>>, vector<32x64xf32>
    %slice3A_39 = vector.extract_strided_slice %get3A_4 {offsets = [2, 0], sizes = [1, 64], strides = [1, 1]} : vector<16x256xf32> to vector<1x64xf32>
    %squeeze3A_40 = vector.shape_cast %slice3A_39 : vector<1x64xf32> to vector<64xf32>
    %broadcast_in_dim3A_41 = vector.shape_cast %squeeze3A_40 : vector<64xf32> to vector<1x64xf32>
    %dot_general3A_42 = arith.constant dense<0.000000e+00> : vector<2048x64xf32>
    %dot_general3A_43 = tpu.matmul %max3A_35, %get3A_38, %dot_general3A_42 {dimension_numbers = #tpu.dot_dimension_numbers<[1], [0], [0], [1], [0, 0, 1, 1], [], []>, transpose_lhs_hint = false} : vector<2048x32xf32>, vector<32x64xf32>, vector<2048x64xf32> -> vector<2048x64xf32>
    %add3A_44 = vector.broadcast %broadcast_in_dim3A_41 : vector<1x64xf32> to vector<2048x64xf32>
    %add3A_45 = arith.addf %dot_general3A_43, %add3A_44 : vector<2048x64xf32>
    %max3A_46 = arith.constant 0.000000e+00 : f32
    %max3A_47 = vector.broadcast %max3A_46 : f32 to vector<2048x64xf32>
    %max3A_48 = arith.maximumf %add3A_45, %max3A_47 : vector<2048x64xf32>
    %reshape3A_49 = vector.shape_cast %max3A_48 : vector<2048x64xf32> to vector<128x16x64xf32>
    %reduce_max3A = arith.constant dense<0xFF800000> : vector<128x64xf32>
    %reduce_max3A_50 = vector.multi_reduction <maximumf>, %reshape3A_49, %reduce_max3A [1] : vector<128x16x64xf32> to vector<128x64xf32>
    %get3A_51 = arith.constant 0 : index
    %get3A_52 = arith.constant 0 : index
    %get3A_53 = vector.load %arg2[%get3A_51, %get3A_52] : memref<4096x48xf32, #tpu.memory_space<vmem>>, vector<4096x48xf32>
    %get3A_54 = arith.constant 0 : index
    %get3A_55 = arith.constant 0 : index
    %get3A_56 = vector.load %arg9[%get3A_54, %get3A_55] : memref<48x64xf32, #tpu.memory_space<vmem>>, vector<48x64xf32>
    %get3A_57 = arith.constant 0 : index
    %get3A_58 = arith.constant 0 : index
    %get3A_59 = vector.load %arg12[%get3A_57, %get3A_58] : memref<8x64xf32, #tpu.memory_space<vmem>>, vector<8x64xf32>
    %dot_general3A_60 = arith.constant dense<0.000000e+00> : vector<128x64xf32>
    %dot_general3A_61 = tpu.matmul %get3A_1, %get3A_59, %dot_general3A_60 {dimension_numbers = #tpu.dot_dimension_numbers<[1], [0], [0], [1], [0, 0, 1, 1], [], []>, transpose_lhs_hint = false} : vector<128x8xf32>, vector<8x64xf32>, vector<128x64xf32> -> vector<128x64xf32>
    %dot_general3A_62 = arith.constant dense<0.000000e+00> : vector<4096x64xf32>
    %dot_general3A_63 = tpu.matmul %get3A_53, %get3A_56, %dot_general3A_62 {dimension_numbers = #tpu.dot_dimension_numbers<[1], [0], [0], [1], [0, 0, 1, 1], [], []>, transpose_lhs_hint = false} : vector<4096x48xf32>, vector<48x64xf32>, vector<4096x64xf32> -> vector<4096x64xf32>
    %slice3A_64 = vector.extract_strided_slice %get3A_4 {offsets = [3, 0], sizes = [1, 64], strides = [1, 1]} : vector<16x256xf32> to vector<1x64xf32>
    %squeeze3A_65 = vector.shape_cast %slice3A_64 : vector<1x64xf32> to vector<64xf32>
    %broadcast_in_dim3A_66 = vector.shape_cast %squeeze3A_65 : vector<64xf32> to vector<1x1x64xf32>
    %reshape3A_67 = vector.shape_cast %dot_general3A_63 : vector<4096x64xf32> to vector<128x32x64xf32>
    %broadcast_in_dim3A_68 = vector.shape_cast %dot_general3A_61 : vector<128x64xf32> to vector<128x1x64xf32>
    %sub3A_69 = vector.broadcast %broadcast_in_dim3A_68 : vector<128x1x64xf32> to vector<128x32x64xf32>
    %sub3A_70 = arith.subf %reshape3A_67, %sub3A_69 : vector<128x32x64xf32>
    %add3A_71 = vector.broadcast %broadcast_in_dim3A_66 : vector<1x1x64xf32> to vector<128x32x64xf32>
    %add3A_72 = arith.addf %sub3A_70, %add3A_71 : vector<128x32x64xf32>
    %max3A_73 = arith.constant 0.000000e+00 : f32
    %max3A_74 = vector.broadcast %max3A_73 : f32 to vector<128x32x64xf32>
    %max3A_75 = arith.maximumf %add3A_72, %max3A_74 : vector<128x32x64xf32>
    %reshape3A_76 = vector.shape_cast %max3A_75 : vector<128x32x64xf32> to vector<4096x64xf32>
    %get3A_77 = arith.constant 0 : index
    %get3A_78 = arith.constant 0 : index
    %get3A_79 = vector.load %arg10[%get3A_77, %get3A_78] : memref<64x64xf32, #tpu.memory_space<vmem>>, vector<64x64xf32>
    %slice3A_80 = vector.extract_strided_slice %get3A_4 {offsets = [4, 0], sizes = [1, 64], strides = [1, 1]} : vector<16x256xf32> to vector<1x64xf32>
    %squeeze3A_81 = vector.shape_cast %slice3A_80 : vector<1x64xf32> to vector<64xf32>
    %broadcast_in_dim3A_82 = vector.shape_cast %squeeze3A_81 : vector<64xf32> to vector<1x64xf32>
    %dot_general3A_83 = arith.constant dense<0.000000e+00> : vector<4096x64xf32>
    %dot_general3A_84 = tpu.matmul %reshape3A_76, %get3A_79, %dot_general3A_83 {dimension_numbers = #tpu.dot_dimension_numbers<[1], [0], [0], [1], [0, 0, 1, 1], [], []>, transpose_lhs_hint = false} : vector<4096x64xf32>, vector<64x64xf32>, vector<4096x64xf32> -> vector<4096x64xf32>
    %add3A_85 = vector.broadcast %broadcast_in_dim3A_82 : vector<1x64xf32> to vector<4096x64xf32>
    %add3A_86 = arith.addf %dot_general3A_84, %add3A_85 : vector<4096x64xf32>
    %max3A_87 = arith.constant 0.000000e+00 : f32
    %max3A_88 = vector.broadcast %max3A_87 : f32 to vector<4096x64xf32>
    %max3A_89 = arith.maximumf %add3A_86, %max3A_88 : vector<4096x64xf32>
    %get3A_90 = arith.constant 0 : index
    %get3A_91 = arith.constant 0 : index
    %get3A_92 = vector.load %arg11[%get3A_90, %get3A_91] : memref<64x128xf32, #tpu.memory_space<vmem>>, vector<64x128xf32>
    %slice3A_93 = vector.extract_strided_slice %get3A_4 {offsets = [5, 0], sizes = [1, 128], strides = [1, 1]} : vector<16x256xf32> to vector<1x128xf32>
    %squeeze3A_94 = vector.shape_cast %slice3A_93 : vector<1x128xf32> to vector<128xf32>
    %broadcast_in_dim3A_95 = vector.shape_cast %squeeze3A_94 : vector<128xf32> to vector<1x128xf32>
    %dot_general3A_96 = arith.constant dense<0.000000e+00> : vector<4096x128xf32>
    %dot_general3A_97 = tpu.matmul %max3A_89, %get3A_92, %dot_general3A_96 {dimension_numbers = #tpu.dot_dimension_numbers<[1], [0], [0], [1], [0, 0, 1, 1], [], []>, transpose_lhs_hint = false} : vector<4096x64xf32>, vector<64x128xf32>, vector<4096x128xf32> -> vector<4096x128xf32>
    %add3A_98 = vector.broadcast %broadcast_in_dim3A_95 : vector<1x128xf32> to vector<4096x128xf32>
    %add3A_99 = arith.addf %dot_general3A_97, %add3A_98 : vector<4096x128xf32>
    %max3A_100 = arith.constant 0.000000e+00 : f32
    %max3A_101 = vector.broadcast %max3A_100 : f32 to vector<4096x128xf32>
    %max3A_102 = arith.maximumf %add3A_99, %max3A_101 : vector<4096x128xf32>
    %reshape3A_103 = vector.shape_cast %max3A_102 : vector<4096x128xf32> to vector<128x32x128xf32>
    %reduce_max3A_104 = arith.constant dense<0xFF800000> : vector<128x128xf32>
    %reduce_max3A_105 = vector.multi_reduction <maximumf>, %reshape3A_103, %reduce_max3A_104 [1] : vector<128x32x128xf32> to vector<128x128xf32>
    %get3A_106 = arith.constant 0 : index
    %get3A_107 = arith.constant 0 : index
    %get3A_108 = vector.load %arg3[%get3A_106, %get3A_107] : memref<8192x48xf32, #tpu.memory_space<vmem>>, vector<8192x48xf32>
    %get3A_109 = arith.constant 0 : index
    %get3A_110 = arith.constant 0 : index
    %get3A_111 = vector.load %arg13[%get3A_109, %get3A_110] : memref<48x64xf32, #tpu.memory_space<vmem>>, vector<48x64xf32>
    %get3A_112 = arith.constant 0 : index
    %get3A_113 = arith.constant 0 : index
    %get3A_114 = vector.load %arg16[%get3A_112, %get3A_113] : memref<8x64xf32, #tpu.memory_space<vmem>>, vector<8x64xf32>
    %dot_general3A_115 = arith.constant dense<0.000000e+00> : vector<128x64xf32>
    %dot_general3A_116 = tpu.matmul %get3A_1, %get3A_114, %dot_general3A_115 {dimension_numbers = #tpu.dot_dimension_numbers<[1], [0], [0], [1], [0, 0, 1, 1], [], []>, transpose_lhs_hint = false} : vector<128x8xf32>, vector<8x64xf32>, vector<128x64xf32> -> vector<128x64xf32>
    %dot_general3A_117 = arith.constant dense<0.000000e+00> : vector<8192x64xf32>
    %dot_general3A_118 = tpu.matmul %get3A_108, %get3A_111, %dot_general3A_117 {dimension_numbers = #tpu.dot_dimension_numbers<[1], [0], [0], [1], [0, 0, 1, 1], [], []>, transpose_lhs_hint = false} : vector<8192x48xf32>, vector<48x64xf32>, vector<8192x64xf32> -> vector<8192x64xf32>
    %slice3A_119 = vector.extract_strided_slice %get3A_4 {offsets = [6, 0], sizes = [1, 64], strides = [1, 1]} : vector<16x256xf32> to vector<1x64xf32>
    %squeeze3A_120 = vector.shape_cast %slice3A_119 : vector<1x64xf32> to vector<64xf32>
    %broadcast_in_dim3A_121 = vector.shape_cast %squeeze3A_120 : vector<64xf32> to vector<1x1x64xf32>
    %reshape3A_122 = vector.shape_cast %dot_general3A_118 : vector<8192x64xf32> to vector<128x64x64xf32>
    %broadcast_in_dim3A_123 = vector.shape_cast %dot_general3A_116 : vector<128x64xf32> to vector<128x1x64xf32>
    %sub3A_124 = vector.broadcast %broadcast_in_dim3A_123 : vector<128x1x64xf32> to vector<128x64x64xf32>
    %sub3A_125 = arith.subf %reshape3A_122, %sub3A_124 : vector<128x64x64xf32>
    %add3A_126 = vector.broadcast %broadcast_in_dim3A_121 : vector<1x1x64xf32> to vector<128x64x64xf32>
    %add3A_127 = arith.addf %sub3A_125, %add3A_126 : vector<128x64x64xf32>
    %max3A_128 = arith.constant 0.000000e+00 : f32
    %max3A_129 = vector.broadcast %max3A_128 : f32 to vector<128x64x64xf32>
    %max3A_130 = arith.maximumf %add3A_127, %max3A_129 : vector<128x64x64xf32>
    %reshape3A_131 = vector.shape_cast %max3A_130 : vector<128x64x64xf32> to vector<8192x64xf32>
    %get3A_132 = arith.constant 0 : index
    %get3A_133 = arith.constant 0 : index
    %get3A_134 = vector.load %arg14[%get3A_132, %get3A_133] : memref<64x96xf32, #tpu.memory_space<vmem>>, vector<64x96xf32>
    %slice3A_135 = vector.extract_strided_slice %get3A_4 {offsets = [7, 0], sizes = [1, 96], strides = [1, 1]} : vector<16x256xf32> to vector<1x96xf32>
    %squeeze3A_136 = vector.shape_cast %slice3A_135 : vector<1x96xf32> to vector<96xf32>
    %broadcast_in_dim3A_137 = vector.shape_cast %squeeze3A_136 : vector<96xf32> to vector<1x96xf32>
    %dot_general3A_138 = arith.constant dense<0.000000e+00> : vector<8192x96xf32>
    %dot_general3A_139 = tpu.matmul %reshape3A_131, %get3A_134, %dot_general3A_138 {dimension_numbers = #tpu.dot_dimension_numbers<[1], [0], [0], [1], [0, 0, 1, 1], [], []>, transpose_lhs_hint = false} : vector<8192x64xf32>, vector<64x96xf32>, vector<8192x96xf32> -> vector<8192x96xf32>
    %add3A_140 = vector.broadcast %broadcast_in_dim3A_137 : vector<1x96xf32> to vector<8192x96xf32>
    %add3A_141 = arith.addf %dot_general3A_139, %add3A_140 : vector<8192x96xf32>
    %max3A_142 = arith.constant 0.000000e+00 : f32
    %max3A_143 = vector.broadcast %max3A_142 : f32 to vector<8192x96xf32>
    %max3A_144 = arith.maximumf %add3A_141, %max3A_143 : vector<8192x96xf32>
    %get3A_145 = arith.constant 0 : index
    %get3A_146 = arith.constant 0 : index
    %get3A_147 = vector.load %arg15[%get3A_145, %get3A_146] : memref<96x128xf32, #tpu.memory_space<vmem>>, vector<96x128xf32>
    %slice3A_148 = vector.extract_strided_slice %get3A_4 {offsets = [8, 0], sizes = [1, 128], strides = [1, 1]} : vector<16x256xf32> to vector<1x128xf32>
    %squeeze3A_149 = vector.shape_cast %slice3A_148 : vector<1x128xf32> to vector<128xf32>
    %broadcast_in_dim3A_150 = vector.shape_cast %squeeze3A_149 : vector<128xf32> to vector<1x128xf32>
    %dot_general3A_151 = arith.constant dense<0.000000e+00> : vector<8192x128xf32>
    %dot_general3A_152 = tpu.matmul %max3A_144, %get3A_147, %dot_general3A_151 {dimension_numbers = #tpu.dot_dimension_numbers<[1], [0], [0], [1], [0, 0, 1, 1], [], []>, transpose_lhs_hint = false} : vector<8192x96xf32>, vector<96x128xf32>, vector<8192x128xf32> -> vector<8192x128xf32>
    %add3A_153 = vector.broadcast %broadcast_in_dim3A_150 : vector<1x128xf32> to vector<8192x128xf32>
    %add3A_154 = arith.addf %dot_general3A_152, %add3A_153 : vector<8192x128xf32>
    %max3A_155 = arith.constant 0.000000e+00 : f32
    %max3A_156 = vector.broadcast %max3A_155 : f32 to vector<8192x128xf32>
    %max3A_157 = arith.maximumf %add3A_154, %max3A_156 : vector<8192x128xf32>
    %reshape3A_158 = vector.shape_cast %max3A_157 : vector<8192x128xf32> to vector<128x64x128xf32>
    %reduce_max3A_159 = arith.constant dense<0xFF800000> : vector<128x128xf32>
    %reduce_max3A_160 = vector.multi_reduction <maximumf>, %reshape3A_158, %reduce_max3A_159 [1] : vector<128x64x128xf32> to vector<128x128xf32>
    %concatenate3A = tpu.concatenate %reduce_max3A_50, %reduce_max3A_105, %reduce_max3A_160 in 1 : vector<128x64xf32>, vector<128x128xf32>, vector<128x128xf32> -> vector<128x320xf32>
    %slice3A_161 = vector.extract_strided_slice %get3A_4 {offsets = [9, 0], sizes = [1, 256], strides = [1, 1]} : vector<16x256xf32> to vector<1x256xf32>
    %squeeze3A_162 = vector.shape_cast %slice3A_161 : vector<1x256xf32> to vector<256xf32>
    %broadcast_in_dim3A_163 = vector.shape_cast %squeeze3A_162 : vector<256xf32> to vector<1x256xf32>
    %get3A_164 = arith.constant 0 : index
    %get3A_165 = arith.constant 0 : index
    %get3A_166 = vector.load %arg17[%get3A_164, %get3A_165] : memref<320x256xf32, #tpu.memory_space<vmem>>, vector<320x256xf32>
    %dot_general3A_167 = arith.constant dense<0.000000e+00> : vector<128x256xf32>
    %dot_general3A_168 = tpu.matmul %concatenate3A, %get3A_166, %dot_general3A_167 {dimension_numbers = #tpu.dot_dimension_numbers<[1], [0], [0], [1], [0, 0, 1, 1], [], []>, transpose_lhs_hint = false} : vector<128x320xf32>, vector<320x256xf32>, vector<128x256xf32> -> vector<128x256xf32>
    %add3A_169 = vector.broadcast %broadcast_in_dim3A_163 : vector<1x256xf32> to vector<128x256xf32>
    %add3A_170 = arith.addf %dot_general3A_168, %add3A_169 : vector<128x256xf32>
    %max3A_171 = arith.constant 0.000000e+00 : f32
    %max3A_172 = vector.broadcast %max3A_171 : f32 to vector<128x256xf32>
    %max3A_173 = arith.maximumf %add3A_170, %max3A_172 : vector<128x256xf32>
    %swap3A = arith.constant 0 : index
    %swap3A_174 = arith.constant 0 : index
    %swap3A_175 = vector.load %arg19[%swap3A, %swap3A_174] : memref<128x256xf32, #tpu.memory_space<vmem>>, vector<128x256xf32>
    tpu.vector_store %arg19[%swap3A, %swap3A_174], %max3A_173 {strides = array<i32>} : memref<128x256xf32, #tpu.memory_space<vmem>>, vector<128x256xf32>,
    return
  }
  func.func @transform_0(%arg0: i32) -> (i32, i32) {
    %c0_i32 = arith.constant 0 : i32
    %c0_i32_0 = arith.constant 0 : i32
    return %arg0, %c0_i32 : i32, i32
  }
  func.func @transform_1(%arg0: i32) -> (i32, i32) {
    %c0_i32 = arith.constant 0 : i32
    %c0_i32_0 = arith.constant 0 : i32
    return %arg0, %c0_i32 : i32, i32
  }
  func.func @transform_2(%arg0: i32) -> (i32, i32) {
    %c0_i32 = arith.constant 0 : i32
    %c0_i32_0 = arith.constant 0 : i32
    return %arg0, %c0_i32 : i32, i32
  }
  func.func @transform_3(%arg0: i32) -> (i32, i32) {
    %c0_i32 = arith.constant 0 : i32
    %c0_i32_0 = arith.constant 0 : i32
    return %arg0, %c0_i32 : i32, i32
  }
  func.func @transform_4(%arg0: i32) -> (i32, i32) {
    %c0_i32 = arith.constant 0 : i32
    %c0_i32_0 = arith.constant 0 : i32
    %c0_i32_1 = arith.constant 0 : i32
    return %c0_i32, %c0_i32_0 : i32, i32
  }
  func.func @transform_5(%arg0: i32) -> (i32, i32) {
    %c0_i32 = arith.constant 0 : i32
    %c0_i32_0 = arith.constant 0 : i32
    %c0_i32_1 = arith.constant 0 : i32
    return %c0_i32, %c0_i32_0 : i32, i32
  }
  func.func @transform_6(%arg0: i32) -> (i32, i32) {
    %c0_i32 = arith.constant 0 : i32
    %c0_i32_0 = arith.constant 0 : i32
    %c0_i32_1 = arith.constant 0 : i32
    return %c0_i32, %c0_i32_0 : i32, i32
  }
  func.func @transform_7(%arg0: i32) -> (i32, i32) {
    %c0_i32 = arith.constant 0 : i32
    %c0_i32_0 = arith.constant 0 : i32
    %c0_i32_1 = arith.constant 0 : i32
    return %c0_i32, %c0_i32_0 : i32, i32
  }
  func.func @transform_8(%arg0: i32) -> (i32, i32) {
    %c0_i32 = arith.constant 0 : i32
    %c0_i32_0 = arith.constant 0 : i32
    %c0_i32_1 = arith.constant 0 : i32
    return %c0_i32, %c0_i32_0 : i32, i32
  }
  func.func @transform_9(%arg0: i32) -> (i32, i32) {
    %c0_i32 = arith.constant 0 : i32
    %c0_i32_0 = arith.constant 0 : i32
    %c0_i32_1 = arith.constant 0 : i32
    return %c0_i32, %c0_i32_0 : i32, i32
  }
  func.func @transform_10(%arg0: i32) -> (i32, i32) {
    %c0_i32 = arith.constant 0 : i32
    %c0_i32_0 = arith.constant 0 : i32
    %c0_i32_1 = arith.constant 0 : i32
    return %c0_i32, %c0_i32_0 : i32, i32
  }
  func.func @transform_11(%arg0: i32) -> (i32, i32) {
    %c0_i32 = arith.constant 0 : i32
    %c0_i32_0 = arith.constant 0 : i32
    %c0_i32_1 = arith.constant 0 : i32
    return %c0_i32, %c0_i32_0 : i32, i32
  }
  func.func @transform_12(%arg0: i32) -> (i32, i32) {
    %c0_i32 = arith.constant 0 : i32
    %c0_i32_0 = arith.constant 0 : i32
    %c0_i32_1 = arith.constant 0 : i32
    return %c0_i32, %c0_i32_0 : i32, i32
  }
  func.func @transform_13(%arg0: i32) -> (i32, i32) {
    %c0_i32 = arith.constant 0 : i32
    %c0_i32_0 = arith.constant 0 : i32
    %c0_i32_1 = arith.constant 0 : i32
    return %c0_i32, %c0_i32_0 : i32, i32
  }
  func.func @transform_14(%arg0: i32) -> (i32, i32) {
    %c0_i32 = arith.constant 0 : i32
    %c0_i32_0 = arith.constant 0 : i32
    %c0_i32_1 = arith.constant 0 : i32
    return %c0_i32, %c0_i32_0 : i32, i32
  }
  func.func @transform_15(%arg0: i32) -> (i32, i32) {
    %c0_i32 = arith.constant 0 : i32
    %c0_i32_0 = arith.constant 0 : i32
    %c0_i32_1 = arith.constant 0 : i32
    return %c0_i32, %c0_i32_0 : i32, i32
  }
  func.func @transform_16(%arg0: i32) -> (i32, i32) {
    %c0_i32 = arith.constant 0 : i32
    %c0_i32_0 = arith.constant 0 : i32
    %c0_i32_1 = arith.constant 0 : i32
    return %c0_i32, %c0_i32_0 : i32, i32
  }
  func.func @transform_17(%arg0: i32) -> (i32, i32) {
    %c0_i32 = arith.constant 0 : i32
    %c0_i32_0 = arith.constant 0 : i32
    %c0_i32_1 = arith.constant 0 : i32
    return %c0_i32, %c0_i32_0 : i32, i32
  }
  func.func @transform_18(%arg0: i32) -> (i32, i32) {
    %c0_i32 = arith.constant 0 : i32
    %c0_i32_0 = arith.constant 0 : i32
    return %arg0, %c0_i32 : i32, i32
  }
}

</mosaic_0001>

<sc_bundles>
// kernel: kernel.4.cloned.1.call-start
scs
__scs_entry_jumppad:
0x0: {  	(pc) =	sbr.rel $0x88, $3  }
0x1: {  	(tag) =	ssettag $0x0;
	lr =	simm.s32 $0x1  }
0x2: {  	[smem:$0x3F89] =	sst lr;
	_ =	strace $0xD0000000  }
0x3: {  	_ = 	snop  }
0x4: {  	_ = 	snop  }
0x5: {  	_ = 	snop  }
0x6: {  	_ = 	snop  }
0x7: {  	_ = 	snop  }
__scs_overlays_trampoline_lowered:
0x8: {  	[smem:$0x3F98] =	sst s0  }
0x9: {  	[smem:$0x3F99] =	sst s1  }
0xa: {  	[smem:$0x3F9A] =	sst s2  }
0xb: {  	[smem:$0x3F9B] =	sst s3  }
0xc: {  	[smem:$0x3F9C] =	sst s4  }
0xd: {  	[smem:$0x3F9D] =	sst s5  }
0xe: {  	[smem:$0x3F9E] =	sst s6  }
0xf: {  	[smem:$0x3F9F] =	sst s7  }
0x10: {  	[smem:$0x3FA0] =	sst s8  }
0x11: {  	[smem:$0x3FA1] =	sst s9;
	s0 =	simm.s32 @!p0 $0x0  }
0x12: {  	s1 =	sld [smem:$0x3F87];
	s0 =	simm.s32 @p0 $0x1  }
0x13: {  	[smem:$0x3FA2] =	sst s0;
	s0 =	simm.s32 @!p1 $0x0  }
0x14: {  	s2 =	sld [smem:$0x3F86];
	s0 =	simm.s32 @p1 $0x1  }
0x15: {  	[smem:$0x3FA3] =	sst s0;
	s0 =	simm.s32 @!p2 $0x0  }
0x16: {  	s3 =	sld [smem:$0x3FDB];
	s0 =	simm.s32 @p2 $0x1  }
0x17: {  	s4 =	simm.s32 $0x1BF5;
	[smem:$0x3FA5] =	sst s0  }
0x18: {  	s0 =	sld [smem:$0x3F88];
	_ =	swait.ge [sflag:s4], $0x0  }
0x19: {  	s7 =	sld [smem:$0x3F89]  }
0x1a: {  	s8 =	sadd.s32 $0xFFFFE003, lr  }
0x1b: {  	s9 =	sadd.s32 $0xFFFFFEF7, lr;
	s5 =	simm.s32 $0xFFFFFFFF;
	p2 =	slt.u32 s8, $0xFFFFF086  }
0x1c: {  	p1 =	slt.u32 s9, $0xF7A;
	s5 =	simm.s32 @!p2 $0x0  }
0x1d: {  	s5 =	simm.s32 @p1 $0x1;
	p0 =	seq.s32 s7, s2  }
0x1e: {  	s7 =	smul.u32 @!p0 $0xF7A, s2;
	p2 =	seq.s32 @!p0 s5, $0x0  }
0x1f: {  	s9 =	smul.u32 $0xF7A, s1;
	s8 =	simm.s32 @!p0 $0x1BF5;
	p2 =	por !p2, p0  }
0x20: {  	[sflag:s8] =	ssyncset.s32 @!p0 $0xFFFFF086;
	s6 =	sadd.s32 @!p0 s3, s7;
	s7 =	simm.s32 @!p0 $0x108  }
0x21: {  	s3 =	sadd.s32 s3, s9;
	s6 =	sadd.s32 @!p0 $0x88, s6;
	s7 =	simm.s32 @p2 $0x1082  }
0x22: {  	[simem:s7], [sflag:s8] =	dma.local @!p0 [hbm:s6], $0xF7A  }
0x23: {  	s9 =	sor.u32 $0xD0000000, s2;
	s6 =	simm.s32 $0x108;
	_ =	swait.ge @!p0 [sflag:s8], $0x0  }
0x24: {  	s3 =	sadd.s32 $0x88, s3;
	s6 =	simm.s32 @!p1 $0x1082;
	[sflag:s4] =	ssyncset.s32 $0xFFFFF086  }
0x25: {  	[simem:s6], [sflag:s4] =	dma.local [hbm:s3], $0xF7A  }
0x26: {  	[smem:$0x3F89] =	sst s1;
	(tag) =	ssettag s2;
	_ =	strace s9  }
0x27: {  	s1 =	sld [smem:$0x3F99]  }
0x28: {  	s2 =	sld [smem:$0x3F9A]  }
0x29: {  	s4 =	sld [smem:$0x3F9C]  }
0x2a: {  	p0 =	seq.s32 s5, $0x0;
	s5 =	sld [smem:$0x3F9D]  }
0x2b: {  	s6 =	sld [smem:$0x3F9E]  }
0x2c: {  	s7 =	sld [smem:$0x3F9F]  }
0x2d: {  	s3 =	simm.s32 $0x108;
	s8 =	sld [smem:$0x3FA0]  }
0x2e: {  	s3 =	simm.s32 @!p0 $0x1082;
	s9 =	sld [smem:$0x3FA1]  }
0x2f: {  	lr =	sadd.s32 s0, s3;
	s0 =	sld [smem:$0x3F98]  }
0x30: {  	s3 =	sld [smem:$0x3F9B]  }
0x31: {  	[smem:$0x3FA4] =	sst s10  }
0x32: {  	s10 =	sld [smem:$0x3FA2];
	_ =	sdelay $0x3  }
0x33: {  	p0 =	seq.s32 s10, $0x1;
	s10 =	sld [smem:$0x3FA4];
	_ =	sdelay $0x3  }
0x34: {  	[smem:$0x3FA4] =	sst s10  }
0x35: {  	s10 =	sld [smem:$0x3FA3];
	_ =	sdelay $0x3  }
0x36: {  	p1 =	seq.s32 s10, $0x1;
	s10 =	sld [smem:$0x3FA4];
	_ =	sdelay $0x3  }
0x37: {  	[smem:$0x3FA4] =	sst s10  }
0x38: {  	s10 =	sld [smem:$0x3FA5]  }
0x39: {  	_ = 	snop;
	(pc) =	sbr.ind lr, $3  }
0x3a: {  	_ = 	snop  }
0x3b: {  	_ = 	snop  }
0x3c: {  	p2 =	seq.s32 s10, $0x1;
	s10 =	sld [smem:$0x3FA4]  }
0x3d: {  	_ =	shalt  }
0x3e: {  	_ =	shalt  }
0x3f: {  	_ =	shalt  }
0x40: {  	_ =	shalt  }
0x41: {  	_ =	shalt  }
0x42: {  	_ =	shalt  }
0x43: {  	_ =	shalt  }
0x44: {  	_ =	shalt  }
0x45: {  	_ =	shalt  }
0x46: {  	_ =	shalt  }
0x47: {  	_ =	shalt  }
0x48: {  	_ =	shalt  }
0x49: {  	_ =	shalt  }
0x4a: {  	_ =	shalt  }
0x4b: {  	_ =	shalt  }
0x4c: {  	_ =	shalt  }
0x4d: {  	_ =	shalt  }
0x4e: {  	_ =	shalt  }
0x4f: {  	_ =	shalt  }
0x50: {  	_ =	shalt  }
0x51: {  	_ =	shalt  }
0x52: {  	_ =	shalt  }
0x53: {  	_ =	shalt  }
0x54: {  	_ =	shalt  }
0x55: {  	_ =	shalt  }
0x56: {  	_ =	shalt  }
0x57: {  	_ =	shalt  }
0x58: {  	_ =	shalt  }
0x59: {  	_ =	shalt  }
0x5a: {  	_ =	shalt  }
0x5b: {  	_ =	shalt  }
0x5c: {  	_ =	shalt  }
0x5d: {  	_ =	shalt  }
0x5e: {  	_ =	shalt  }
0x5f: {  	_ =	shalt  }
0x60: {  	_ =	shalt  }
0x61: {  	_ =	shalt  }
0x62: {  	_ =	shalt  }
0x63: {  	_ =	shalt  }
0x64: {  	_ =	shalt  }
0x65: {  	_ =	shalt  }
0x66: {  	_ =	shalt  }
0x67: {  	_ =	shalt  }
0x68: {  	_ =	shalt  }
0x69: {  	_ =	shalt  }
0x6a: {  	_ =	shalt  }
0x6b: {  	_ =	shalt  }
0x6c: {  	_ =	shalt  }
0x6d: {  	_ =	shalt  }
0x6e: {  	_ =	shalt  }
0x6f: {  	_ =	shalt  }
0x70: {  	_ =	shalt  }
0x71: {  	_ =	shalt  }
0x72: {  	_ =	shalt  }
0x73: {  	_ =	shalt  }
0x74: {  	_ =	shalt  }
0x75: {  	_ =	shalt  }
0x76: {  	_ =	shalt  }
0x77: {  	_ =	shalt  }
0x78: {  	_ =	shalt  }
0x79: {  	_ =	shalt  }
0x7a: {  	_ =	shalt  }
0x7b: {  	_ =	shalt  }
0x7c: {  	_ =	shalt  }
0x7d: {  	_ =	shalt  }
0x7e: {  	_ =	shalt  }
0x7f: {  	_ =	shalt  }
0x80: {  	_ =	shalt  }
0x81: {  	_ =	shalt  }
0x82: {  	_ =	shalt  }
0x83: {  	_ =	shalt  }
0x84: {  	_ =	shalt  }
0x85: {  	_ =	shalt  }
0x86: {  	_ =	shalt  }
0x87: {  	_ =	shalt  }
.Lfunc_end0:
.L_simem_size_0:
called_computation_lowered:
.L_overlay_start_0:
0x88: {  	s2 =	sld [smem:$0x3FD9]  }
0x89: {  	s3 =	sld [smem:$0x3FFE];
	_ =	sdelay $0x1  }
0x8a: {  	s1 =	srdreg.scid  }
0x8b: {  	s0 =	sand.u32 $0x1, s1  }
0x8c: {  	s14 =	sshll.u32 s0, $0xA;
	s2 =	sadd.s32 s3, s2  }
0x8d: {  	s2 =	sadd.s32 s2, s14  }
0x8e: {  	[smem:$0x3FB0] =	sst s2  }
0x8f: {  	_ = 	snop  }
0x90: {  	s2 =	sld [smem:$0x3FD0];
	_ =	sdelay $0x2  }
0x91: {  	s15 =	simm.s32 $0xA;
	s4 =	simm.s32 $0x10  }
0x92: {  	[smem:s4], [sflag:s15] =	dma.local [hbm:s2], $0x1  }
0x93: {  	_ =	swait.eq [sflag:s15], $0x1  }
0x94: {  	[sflag:s15] =	ssyncset.done $0x0  }
0x95: {  	s16 =	sld [smem:$0x10];
	[sflag:s15] =	ssyncadd.s32 $0xFFFFFFFF  }
0x96: {  	s17 =	sld [smem:$0x11];
	(tm) =	ssettm $0x1  }
0x97: {  	s18 =	sld [smem:$0x3FFB];
	_ =	sdelay $0x3  }
0x98: {  	_ =	strace s18  }
0x99: {  	s4 =	sld [smem:$0x3FFC];
	_ =	sdelay $0x3  }
0x9a: {  	_ =	strace s4  }
0x9b: {  	s4 =	sld [smem:$0x3FFD];
	_ =	sdelay $0x3  }
0x9c: {  	_ =	strace s4  }
0x9d: {  	_ =	strace $0x8FFFFFFF  }
0x9e: {  	s19 =	sld [smem:$0x3FDB];
	_ =	sdelay $0x1  }
0x9f: {  	s5 =	simm.s32 $_scs_section_size  }
0xa0: {  	s6 =	simm.s32 $_size__tile_overlayer_lowered;
	s7 =	simm.s32 $_tile_overlayer_lowered  }
0xa1: {  	s22 =	simm.s32 $0x1BFF;
	s21 =	sshll.u32 s7, $0x1;
	s4 =	sadd.s32 s5, s19  }
0xa2: {  	s8 =	simm.s32 $0x0;
	s20 =	sshll.u32 s6, $0x1;
	s6 =	sadd.s32 s21, s4  }
0xa3: {  	[timem:s8], [sflag:s22] =	dma.local [hbm:s6], s20  }
0xa4: {  	_ =	swait.ge [sflag:s22], s20  }
0xa5: {  	s5 =	ssub.s32 $0x0, s20;
	[sflag:s22] =	ssyncset.done $0x0  }
0xa6: {  	[sflag:s22] =	ssyncadd.s32 s5;
	_ =	sdelay $0x1  }
0xa7: {  	s23 =	simm.s32 $0x1B8B  }
0xa8: {  	_ =	swait.ge [sflag:s23], $0x1  }
0xa9: {  	[sflag:s23] =	ssyncset.done $0x0  }
0xaa: {  	s25 =	simm.s32 $0x1B8E;
	s24 =	sld [smem:$0x3FFE];
	[sflag:s23] =	ssyncadd.s32 $0xFFFFFFFF  }
0xab: {  	s26 =	simm.s32 $execute0_lowered;
	[smem:$0x3FD2] =	sst s25  }
0xac: {  	s6 =	sshll.u32 s26, $0x1;
	_ =	strace $0x80000046;
	[dreg:$0x1] =	wrdreg $0xFFFFFFFF  }
0xad: {  	s28 =	simm.s32 $_size_execute0_lowered;
	s4 =	sadd.s32 s4, s6;
	[dreg:$0x0] =	wrdreg $0x0  }
0xae: {  	s6 =	sshll.u32 s28, $0x1;
	[dreg:$0x2] =	wrdreg s4  }
0xaf: {  	[dreg:$0x3] =	wrdreg s6  }
0xb0: {  	[dreg:$0x4] =	wrdreg $0xC0  }
0xb1: {  	_ =	task [dreg:s8], $0x5FFFF  }
0xb2: {  	[dreg:$0x1] =	wrdreg $0xFFFFFFFF  }
0xb3: {  	[dreg:$0x0] =	wrdreg $0x60  }
0xb4: {  	[dreg:$0x2] =	wrdreg s17  }
0xb5: {  	[dreg:$0x3] =	wrdreg s24  }
0xb6: {  	[dreg:$0x4] =	wrdreg s16  }
0xb7: {  	[dreg:$0x5] =	wrdreg $0x9  }
0xb8: {  	_ =	task.clear_ibuf [dreg:s8], $0x6FFFF;
	_ =	strace $0x90000046  }
0xb9: {  	s29 =	simm.s32 $0x9;
	_ =	strace $0x80000048  }
0xba: {  	_ =	swait.ge [sflag:s29], $0x1  }
0xbb: {  	[sflag:s29] =	ssyncadd.s32 $0xFFFFFFFF  }
0xbc: {  	_ =	strace $0x90000048  }
0xbd: {  	_ =	sfence  }
0xbe: {  	s30 =	sld [smem:$0x0];
	_ =	sdelay $0x2  }
0xbf: {  	s31 =	sshll.u32 s1, $0xD;
	s1 =	sshrl.u32 s1, $0x2  }
0xc0: {  	s3 =	sand.u32 $0x4000, s31;
	s1 =	sadd.s32 s1, s30  }
0xc1: {  	s0 =	sor.u32 s3, s0;
	s1 =	sshll.u32 s1, $0x11  }
0xc2: {  	s0 =	sor.u32 s1, s0  }
0xc3: {  	s0 =	sadd.s32 $0x8F2B, s0  }
0xc4: {  	[sflag:s0] =	ssyncadd.remote.s32 $0x1  }
0xc5: {  	_ =	sfence.sel $0xFFFF  }
0xc6: {  	[dreg:$0x0] =	wrdreg $0xFFFFFFFF;
	(pc) =	sbr.abs _section_cstart, $3  }
0xc7: {  	[dreg:$0x1] =	wrdreg $0xFFFFFFFF  }
0xc8: {  	_ =	task.clear_ibuf [dreg:s8], $0x2FFFF;
	_ =	strace $0x9FFFFFFF  }
0xc9: {  	(tm) =	ssettm $0x7FFFFFFF  }
tec
execute0_lowered:
.L_overlay_start_1:
0x0: {  	(tag) =	ssettag $0x1  }
0x1: {  	s0 =	rddreg [dreg:$0x0]  }
0x2: {  	s1 =	rddreg [dreg:$0x1]  }
0x3: {  	s2 =	srdreg.scid;
	s13 =	stileid.u32  }
0x4: {  	s4 =	rddreg [dreg:$0x2];
	s22 =	simm.s32 $0x8180;
	s23 =	simm.s32 $0xAB80  }
0x5: {  	s28 =	simm.s32 $0x6F80;
	s29 =	simm.s32 $0x80;
	s30 =	simm.s32 $0x9380  }
0x6: {  	s31 =	simm.s32 $0xDB80;
	s5 =	sand.u32 $0x1, s2;
	s8 =	smul.u32 $0x3600, s13  }
0x7: {  	s3 =	sshll.u32 s13, $0x1;
	s2 =	simm.s32 $0x0;
	s11 =	smul.u32 $0x6C00, s13  }
0x8: {  	s6 =	sshll.u32 s13, $0xA;
	s13 =	smul.u32 $0xD800, s13;
	s3 =	sor.u32 s5, s3  }
0x9: {  	[smem:$0x7FF] =	sst s2;
	s6 =	sand.u32 $0x3000, s6;
	s16 =	smul.u32 $0x3600, s5  }
0xa: {  	s14 =	ssub.s32 $0x2, s5;
	s3 =	smul.u32 $0x48, s3;
	_ =	strace $0x80000047  }
0xb: {  	s10 =	sshrl.u32 s6, $0x3;
	s8 =	sadd.s32 s8, s1;
	s15 =	sshrl.u32 s14, $0x1  }
0xc: {  	s11 =	sadd.s32 s11, s1;
	s20 =	sor.u32 $0x30, s6;
	[dreg:$0x4] =	wrdreg s22  }
0xd: {  	[dreg:$0x5] =	wrdreg s23;
	s22 =	simm.s32 $0x16BD8;
	s23 =	simm.s32 $0x16C30  }
0xe: {  	s12 =	sadd.s32 s10, s1;
	s0 =	sadd.s32 s0, s10;
	s10 =	smul.u32 $0x6C00, s5  }
0xf: {  	s24 =	ssub.s32 s14, s15;
	s5 =	smul.u32 $0x1B00, s5;
	s18 =	sadd.s32 s16, s11  }
0x10: {  	s7 =	sshrl.u32 s3, $0x3;
	[dreg:$0x9] =	wrdreg s0;
	s25 =	sadd.s32 $0x4400, s12  }
0x11: {  	s3 =	sadd.s32 $0x4E00, s1;
	s26 =	sadd.s32 $0x3C00, s12;
	[dreg:$0xa] =	wrdreg s25  }
0x12: {  	s14 =	sadd.s32 $0x1CE00, s12;
	s17 =	smax.u32 s24, $0x1;
	[dreg:$0xb] =	wrdreg s26  }
0x13: {  	s19 =	sadd.s32 $0xF5600, s18;
	s24 =	simm.s32 $0xC380;
	[dreg:$0xe] =	wrdreg s14  }
0x14: {  	s18 =	simm.s32 $0x15380;
	s9 =	sadd.s32 s7, s1;
	[dreg:$0x11] =	wrdreg s17  }
0x15: {  	s1 =	sadd.s32 s13, s1;
	s7 =	sadd.s32 s4, s7;
	[dreg:$0x13] =	wrdreg s19  }
0x16: {  	s21 =	sadd.s32 s5, s8;
	s17 =	simm.s32 $0x2;
	[dreg:$0x6] =	wrdreg s24  }
0x17: {  	s25 =	simm.s32 $0xF380;
	s26 =	simm.s32 $0x10B80;
	[dreg:$0xd] =	wrdreg s7  }
0x18: {  	s24 =	simm.s32 $0x16C88;
	s19 =	simm.s32 $0x1;
	[dreg:$0x7] =	wrdreg s25  }
0x19: {  	s5 =	simm.s32 $0x0;
	s9 =	sadd.s32 $0x4C00, s9;
	[dreg:$0x8] =	wrdreg s26  }
0x1a: {  	s15 =	sadd.s32 $0x120, s7;
	s7 =	sadd.s32 $0x240, s7;
	[dreg:$0xc] =	wrdreg s9  }
0x1b: {  	s0 =	sadd.s32 s10, s1;
	s25 =	simm.s32 $0x5D80;
	[dreg:$0xf] =	wrdreg s15  }
0x1c: {  	s26 =	simm.s32 $0x60;
	[dreg:$0x10] =	wrdreg s7;
	s0 =	sadd.s32 $0x1D600, s0  }
0x1d: {  	v1 =	vlaneseq.u32;
	s1 =	simm.s32 $0x12380;
	[dreg:$0x12] =	wrdreg s0;
	s0 =	sadd.s32 $0x161600, s21  }
0x1e: {  	v2 =	vimm.s32 $0x0;
	vm0 =	vcmask $0x300;
	v0 =	vmov s6;
	s7 =	simm.s32 $0x4000;
	[dreg:$0x14] =	wrdreg s0;
	s0 =	simm.s32 $0x13B80  }
.LBB2_1:
0x1f: {  	[dreg:$0x15] =	wrdreg s5  }
0x20: {  	s4 =	rddreg [dreg:$0x9]  }
0x21: {  	[tilespmem:s2], [sflag:$0x2] =	stream.linear.gather [hbm4b:s4+s2], $0x1000, $0x38;
	[tilespmem:$0x16CE0] =	vst v63  }
0x22: {  	_ =	swait.ge [sflag:s17], $0x1000  }
0x23: {  	[sflag:s17] =	ssyncset.done $0x0  }
0x24: {  	s12 =	simm.s32 $0x1000;
	s11 =	rddreg [dreg:$0xa];
	[sflag:s17] =	ssyncadd.s32 $0xFFFFF000  }
0x25: {  	[tilespmem:s12], [sflag:$0x2] =	stream.linear.gather [hbm4b:s11+s2], $0x1000, $0x38;
	[tilespmem:$0x16CE0] =	vst v63  }
0x26: {  	_ =	swait.ge [sflag:s17], $0x1000  }
0x27: {  	[sflag:s17] =	ssyncset.done $0x0  }
0x28: {  	s14 =	simm.s32 $0x2000;
	s13 =	rddreg [dreg:$0xb];
	[sflag:s17] =	ssyncadd.s32 $0xFFFFF000  }
0x29: {  	[tilespmem:s14], [sflag:$0x2] =	stream.linear.gather [hbm4b:s13+s2], $0x1000, $0x38;
	[tilespmem:$0x16CE0] =	vst v63  }
0x2a: {  	_ =	swait.ge [sflag:s17], $0x1000  }
0x2b: {  	[sflag:s17] =	ssyncset.done $0x0  }
0x2c: {  	s16 =	simm.s32 $0x16B80;
	s15 =	rddreg [dreg:$0xc];
	[sflag:s17] =	ssyncadd.s32 $0xFFFFF000  }
0x2d: {  	[tilespmem:s16], [sflag:$0x2] =	stream.linear.gather [hbm4b:s15+s2], $0x48, $0x38;
	[tilespmem:$0x16CE0] =	vst v63  }
0x2e: {  	_ =	swait.ge [sflag:s17], $0x48  }
0x2f: {  	[sflag:s17] =	ssyncset.done $0x0  }
0x30: {  	s21 =	rddreg [dreg:$0xe];
	[sflag:s17] =	ssyncadd.s32 $0xFFFFFFB8  }
0x31: {  	[tilespmem:s7], [sflag:$0x2] =	stream.linear.gather [hbm4b:s21+s2], $0x1000, $0x38;
	[tilespmem:$0x16CE0] =	vst v63  }
0x32: {  	_ =	swait.ge [sflag:s17], $0x1000  }
0x33: {  	[sflag:s17] =	ssyncset.done $0x0  }
0x34: {  	s4 =	simm.s32 $0x0;
	[sflag:s17] =	ssyncadd.s32 $0xFFFFF000  }
0x35: {  	v3 =	vld [tilespmem:s4+$0x0];
	_ =	sdelay $0x1  }
0x36: {  	v4 =	vld [tilespmem:s4+$0x1000]  }
0x37: {  	v5 =	vld [tilespmem:s4+$0x2000];
	_ =	sdelay $0x1  }
0x38: {  	v6 =	vshrl.u32 v3, $0x10  }
0x39: {  	v6 =	vand.u32 $0x1, v6  }
0x3a: {  	v7 =	vmul.f32 v3, v3;
	v8 =	vshrl.u32 v4, $0x10;
	v3 =	vadd.s32 v6, v3  }
0x3b: {  	v6 =	vand.u32 $0x1, v8;
	v8 =	vshrl.u32 v5, $0x10;
	v3 =	vadd.s32 $0x7FFF, v3  }
0x3c: {  	v6 =	vadd.s32 v6, v4;
	v8 =	vand.u32 $0x1, v8;
	v4 =	vmul.f32 v4, v4  }
0x3d: {  	v3 =	vand.u32 $0xFFFF0000, v3;
	v6 =	vadd.s32 $0x7FFF, v6;
	v8 =	vadd.s32 v8, v5  }
0x3e: {  	s5 =	simm.s32 $0x10;
	[tilespmem:s4+$0x0] =	vst v3;
	v6 =	vand.u32 $0xFFFF0000, v6;
	v8 =	vadd.s32 $0x7FFF, v8  }
0x3f: {  	s6 =	simm.s32 $0x80;
	v5 =	vmul.f32 v5, v5;
	v4 =	vadd.f32 v4, v7;
	v3 =	vld [tilespmem:s5+$0x0];
	[tilespmem:s4+$0x1000] =	vst v6;
	v6 =	vand.u32 $0xFFFF0000, v8  }
.LBB2_2:
0x40: {  	p0 =	sne.s32 s6, $0x3FC0;
	v7 =	vld [tilespmem:s5+$0x1000];
	[tilespmem:s4+$0x2000] =	vst v6  }
0x41: {  	v6 =	vld [tilespmem:s5+$0x2000];
	v4 =	vadd.f32 v5, v4;
	_ =	sdelay $0x1  }
0x42: {  	[tilespmem:s4+$0x3000] =	vst v4;
	s4 =	smov.u32 s5  }
0x43: {  	v4 =	vmul.f32 v3, v3;
	v5 =	vshrl.u32 v3, $0x10  }
0x44: {  	v8 =	vmul.f32 v7, v7;
	v5 =	vand.u32 $0x1, v5;
	v9 =	vshrl.u32 v7, $0x10  }
.Ltmp0:
0x45: {  	v3 =	vadd.s32 v5, v3;
	v5 =	vand.u32 $0x1, v9;
	v9 =	vshrl.u32 v6, $0x10;
	(pc) =	sbr.rel @p0 .LBB2_2-.Ltmp0, $4  }
0x46: {  	v3 =	vadd.s32 $0x7FFF, v3;
	v5 =	vadd.s32 v5, v7;
	v7 =	vand.u32 $0x1, v9  }
0x47: {  	v3 =	vand.u32 $0xFFFF0000, v3;
	v5 =	vadd.s32 $0x7FFF, v5;
	v7 =	vadd.s32 v7, v6  }
0x48: {  	s5 =	sshra.s32 s6, $0x2;
	v4 =	vadd.f32 v8, v4;
	[tilespmem:s4+$0x0] =	vst v3;
	v8 =	vand.u32 $0xFFFF0000, v5;
	v7 =	vadd.s32 $0x7FFF, v7  }
0x49: {  	s6 =	sadd.s32 $0x40, s6;
	v5 =	vmul.f32 v6, v6;
	v3 =	vld [tilespmem:s5+$0x0];
	[tilespmem:s4+$0x1000] =	vst v8;
	v6 =	vand.u32 $0xFFFF0000, v7  }
0x4a: {  	v7 =	vld [tilespmem:s5+$0x1000]  }
0x4b: {  	[tilespmem:s4+$0x2000] =	vst v6  }
0x4c: {  	v6 =	vld [tilespmem:s5+$0x2000];
	_ =	sdelay $0x1  }
0x4d: {  	v4 =	vadd.f32 v5, v4;
	v52 =	vshrl.u32 v3, $0x10  }
0x4e: {  	v8 =	vmul.f32 v3, v3;
	v5 =	vand.u32 $0x1, v52;
	v9 =	vshrl.u32 v7, $0x10  }
0x4f: {  	v53 =	vmul.f32 v7, v7;
	v3 =	vadd.s32 v5, v3;
	v9 =	vand.u32 $0x1, v9  }
0x50: {  	v54 =	vshrl.u32 v6, $0x10;
	v7 =	vadd.s32 v9, v7;
	v3 =	vadd.s32 $0x7FFF, v3  }
0x51: {  	v9 =	vand.u32 $0x1, v54;
	v5 =	vadd.f32 v53, v8;
	v3 =	vand.u32 $0xFFFF0000, v3  }
0x52: {  	[tilespmem:s4+$0x3000] =	vst v4;
	v7 =	vadd.s32 $0x7FFF, v7;
	v55 =	vadd.s32 v9, v6;
	v6 =	vmul.f32 v6, v6  }
0x53: {  	[tilespmem:s5+$0x0] =	vst v3;
	v3 =	vand.u32 $0xFFFF0000, v7;
	v4 =	vadd.s32 $0x7FFF, v55  }
0x54: {  	[tilespmem:s5+$0x1000] =	vst v3;
	v3 =	vand.u32 $0xFFFF0000, v4;
	v56 =	vadd.f32 v6, v5  }
0x55: {  	[tilespmem:s5+$0x2000] =	vst v3  }
0x56: {  	[tilespmem:s5+$0x3000] =	vst v56  }
0x57: {  	v3 =	vld [tilespmem:$0x16B80];
	_ =	sdelay $0x4  }
0x58: {  	vm1 =	vgt.s32 v3, $0x0  }
0x59: {  	v3 =	vnsel vm1, $0x0, v3  }
0x5a: {  	v3 =	vmin.u32 v3, $0x1FF  }
0x5b: {  	v3 =	vshll.u32 v3, $0x3;
	_ =	sdelay $0x4  }
0x5c: {  	v4 =	vld.idx.msk [tilespmem:v3+s7+$0x0], $0xffff  }
0x5d: {  	v57 =	vor.u32 $0x1, v3;
	_ =	sdelay $0x3  }
0x5e: {  	v58 =	vld [tilespmem:$0x16B90];
	[tilespmem:$0x16BD8] =	vst v4  }
0x5f: {  	v5 =	vld.idx.msk [tilespmem:v57+s7+$0x0], $0xffff  }
0x60: {  	v3 =	vor.u32 $0x2, v3;
	_ =	sdelay $0x2  }
0x61: {  	vm1 =	vgt.s32 v58, $0x0  }
0x62: {  	v4 =	vnsel vm1, $0x0, v58;
	[tilespmem:$0x16C30] =	vst v5  }
0x63: {  	v4 =	vmin.u32 v4, $0x1FF;
	v3 =	vld.idx.msk [tilespmem:v3+s7+$0x0], $0xffff  }
0x64: {  	v4 =	vshll.u32 v4, $0x3;
	_ =	sdelay $0x3  }
0x65: {  	[tilespmem:$0x16C88] =	vst v3  }
0x66: {  	v3 =	vld.idx.msk [tilespmem:v4+s7+$0x0], $0xffff  }
0x67: {  	v59 =	vor.u32 $0x1, v4;
	_ =	sdelay $0x3  }
0x68: {  	[tilespmem:$0x16BE8] =	vst v3;
	v3 =	vld [tilespmem:$0x16BA0]  }
0x69: {  	v5 =	vld.idx.msk [tilespmem:v59+s7+$0x0], $0xffff  }
0x6a: {  	v4 =	vor.u32 $0x2, v4;
	_ =	sdelay $0x2  }
0x6b: {  	vm1 =	vgt.s32 v3, $0x0  }
0x6c: {  	[tilespmem:$0x16C40] =	vst v5;
	v3 =	vnsel vm1, $0x0, v3  }
0x6d: {  	v4 =	vld.idx.msk [tilespmem:v4+s7+$0x0], $0xffff;
	v3 =	vmin.u32 v3, $0x1FF  }
0x6e: {  	v3 =	vshll.u32 v3, $0x3;
	_ =	sdelay $0x3  }
0x6f: {  	[tilespmem:$0x16C98] =	vst v4  }
0x70: {  	v4 =	vld.idx.msk [tilespmem:v3+s7+$0x0], $0xffff  }
0x71: {  	v60 =	vor.u32 $0x1, v3;
	_ =	sdelay $0x3  }
0x72: {  	v61 =	vld [tilespmem:$0x16BB0];
	[tilespmem:$0x16BF8] =	vst v4  }
0x73: {  	v5 =	vld.idx.msk [tilespmem:v60+s7+$0x0], $0xffff  }
0x74: {  	v3 =	vor.u32 $0x2, v3;
	_ =	sdelay $0x2  }
0x75: {  	vm1 =	vgt.s32 v61, $0x0  }
0x76: {  	v4 =	vnsel vm1, $0x0, v61;
	[tilespmem:$0x16C50] =	vst v5  }
0x77: {  	v4 =	vmin.u32 v4, $0x1FF;
	v3 =	vld.idx.msk [tilespmem:v3+s7+$0x0], $0xffff  }
0x78: {  	v4 =	vshll.u32 v4, $0x3;
	_ =	sdelay $0x3  }
0x79: {  	[tilespmem:$0x16CA8] =	vst v3  }
0x7a: {  	v3 =	vld.idx.msk [tilespmem:v4+s7+$0x0], $0xffff  }
0x7b: {  	v62 =	vor.u32 $0x1, v4;
	_ =	sdelay $0x3  }
0x7c: {  	[tilespmem:$0x16C08] =	vst v3;
	v3 =	vld [tilespmem:$0x16BC0]  }
0x7d: {  	v5 =	vld.idx.msk [tilespmem:v62+s7+$0x0], $0xffff  }
0x7e: {  	v4 =	vor.u32 $0x2, v4;
	_ =	sdelay $0x2  }
0x7f: {  	vm1 =	vgt.s32 v3, $0x0  }
0x80: {  	[tilespmem:$0x16C60] =	vst v5;
	v3 =	vnsel vm1, $0x0, v3  }
0x81: {  	v4 =	vld.idx.msk [tilespmem:v4+s7+$0x0], $0xffff;
	v3 =	vmin.u32 v3, $0x1FF  }
0x82: {  	v3 =	vshll.u32 v3, $0x3;
	_ =	sdelay $0x3  }
0x83: {  	[tilespmem:$0x16CB8] =	vst v4  }
0x84: {  	v4 =	vld.idx.msk [tilespmem:v3+s7+$0x0], $0xffff  }
0x85: {  	v63 =	vor.u32 $0x1, v3;
	_ =	sdelay $0x3  }
0x86: {  	[tilespmem:$0x16C18] =	vst v4  }
0x87: {  	v4 =	vld.idx.msk [tilespmem:v63+s7+$0x0], $0xffff  }
0x88: {  	v3 =	vor.u32 $0x2, v3;
	_ =	sdelay $0x3  }
0x89: {  	[tilespmem:$0x16C70] =	vst v4  }
0x8a: {  	v3 =	vld.idx.msk [tilespmem:v3+s7+$0x0], $0xffff;
	_ =	sdelay $0x4  }
0x8b: {  	s4 =	simm.s32 $0x0;
	[tilespmem:$0x16CC8] =	vst v3  }
.LBB2_4:
0x8c: {  	v3 =	vmov s4;
	_ =	sdelay $0x4  }
0x8d: {  	v4 =	vld.idx.msk [tilespmem:v3+s22+$0x0], $0xffff  }
0x8e: {  	v5 =	vld.idx.msk [tilespmem:v3+s23+$0x0], $0xffff;
	_ =	sdelay $0x1  }
0x8f: {  	v6 =	vld.idx.msk [tilespmem:v3+s24+$0x0], $0xffff;
	_ =	sdelay $0x2  }
0x90: {  	v3 =	vmul.f32 v4, v4;
	v7 =	vmul.f32 v5, v5  }
0x91: {  	v8 =	vshrl.u32 v5, $0x10  }
0x92: {  	v9 =	vshrl.u32 v6, $0x10;
	v3 =	vadd.f32 v7, v3;
	v7 =	vmul.f32 v6, v6  }
0x93: {  	v8 =	vand.u32 $0x1, v8;
	v9 =	vand.u32 $0x1, v9  }
0x94: {  	v5 =	vadd.s32 v8, v5;
	v3 =	vadd.f32 v7, v3;
	v7 =	vshrl.u32 v4, $0x10  }
0x95: {  	s7 =	sshll.u32 s4, $0x4;
	s6 =	sshll.u32 s4, $0x5;
	s5 =	sshll.u32 s4, $0x6;
	v6 =	vadd.s32 v9, v6;
	v8 =	vimm.s32 $0x0;
	v7 =	vand.u32 $0x1, v7  }
0x96: {  	s12 =	simm.s32 $0xFFFFFFFC;
	s8 =	simm.s32 $0x2020;
	s15 =	simm.s32 $0x3020;
	v9 =	vimm.s32 $0x0;
	v5 =	vadd.s32 $0x7FFF, v5;
	v4 =	vadd.s32 v7, v4  }
0x97: {  	s16 =	simm.s32 $0x20;
	s14 =	simm.s32 $0x1020;
	s13 =	smov.u32 s20;
	v6 =	vadd.s32 $0x7FFF, v6;
	v5 =	vand.u32 $0xFFFF0000, v5;
	v4 =	vadd.s32 $0x7FFF, v4  }
0x98: {  	s9 =	sadd.s32 $0x5000, s7;
	s10 =	sadd.s32 $0x5480, s6;
	s11 =	sadd.s32 $0x5D80, s5;
	v6 =	vand.u32 $0xFFFF0000, v6;
	v7 =	vimm.s32 $0x0;
	v4 =	vand.u32 $0xFFFF0000, v4  }
.LBB2_5:
0x99: {  	v10 =	vld [tilespmem:s16+$0xFFFFFFE0]  }
0x9a: {  	v11 =	vld [tilespmem:s14+$0xFFFFFFE0];
	_ =	sdelay $0x1  }
0x9b: {  	v12 =	vld [tilespmem:s8+$0xFFFFFFE0];
	_ =	sdelay $0x2  }
0x9c: {  	v10 =	vmul.f32 v4, v10;
	v11 =	vmul.f32 v5, v11  }
0x9d: {  	v13 =	vld [tilespmem:s15+$0xFFFFFFE0]  }
0x9e: {  	v10 =	vadd.f32 v11, v10;
	v11 =	vmul.f32 v6, v12;
	_ =	sdelay $0x1  }
0x9f: {  	v10 =	vadd.f32 v11, v10;
	_ =	sdelay $0x1  }
0xa0: {  	v11 =	vadd.f32 v13, v3;
	v10 =	vadd.f32 v10, v10;
	_ =	sdelay $0x1  }
0xa1: {  	v10 =	vsub.f32 v11, v10;
	_ =	sdelay $0x1  }
0xa2: {  	vm4 =	vle.f32 v10, $3.999999910e-02  }
0xa3: {  	v11 =	vsel vm4, $0x1, v2  }
0xa4: {  	vm2 =	vle.f32 v10, $1.599999960e-01;
	(xrf0) =	vadd.scan.msk.s32 $0xffff, v11  }
0xa5: {  	vm5 =	vle.f32 v10, $6.399999860e-01;
	v11 =	vsel vm2, $0x1, v2  }
0xa6: {  	v10 =	vsel vm5, $0x1, v2;
	(xrf0) =	vadd.scan.msk.s32 $0xffff, v11  }
0xa7: {  	(xrf0) =	vadd.scan.msk.s32 $0xffff, v10;
	_ =	sdelay $0x2  }
0xa8: {  	v10, _, _ =	vpop (xrf0)  }
0xa9: {  	v10 =	vadd.s32 v10, v9  }
0xaa: {  	v11, _, _ =	vpop (xrf0);
	v10 =	vadd.s32 $0xFFFFFFFF, v10  }
0xab: {  	v11 =	vadd.s32 v11, v8;
	v12, _, _ =	vpop (xrf0);
	vm1 =	vlt.s32 v10, $0x10;
	vm3 =	vlt.s32 v10, $0xF  }
0xac: {  	v11 =	vadd.s32 $0xFFFFFFFF, v11;
	v12 =	vadd.s32 v12, v7;
	vm1 =	vmand vm4, vm1  }
0xad: {  	v10 =	vnsel vm3, $0xF, v10;
	vm3 =	vlt.s32 v11, $0x20;
	v12 =	vadd.s32 $0xFFFFFFFF, v12  }
0xae: {  	vm6 =	vlt.s32 v11, $0x1F;
	vm3 =	vmand vm2, vm3;
	vm7 =	vlt.s32 v12, $0x40  }
0xaf: {  	v11 =	vnsel vm6, $0x1F, v11;
	vm14 =	vlt.s32 v12, $0x3F;
	vm13 =	vmand vm5, vm7  }
0xb0: {  	v12 =	vnsel vm14, $0x3F, v12  }
0xb1: {  	s21 =	sadd.s32 $0xFFFFFFD0, s13  }
0xb2: {  	v13 =	vor.u32 s21, v1  }
0xb3: {  	[tilespmem:v10+s9+$0x0] =	vst.idx.msk vm1, v13  }
0xb4: {  	[tilespmem:v11+s10+$0x0] =	vst.idx.msk vm3, v13  }
0xb5: {  	[tilespmem:v12+s11+$0x0] =	vst.idx.msk vm13, v13  }
0xb6: {  	v10 =	vld [tilespmem:s16+$0xFFFFFFF0]  }
0xb7: {  	v11 =	vld [tilespmem:s14+$0xFFFFFFF0];
	_ =	sdelay $0x1  }
0xb8: {  	v12 =	vld [tilespmem:s8+$0xFFFFFFF0];
	_ =	sdelay $0x2  }
0xb9: {  	v10 =	vmul.f32 v4, v10;
	v11 =	vmul.f32 v5, v11  }
0xba: {  	v13 =	vld [tilespmem:s15+$0xFFFFFFF0]  }
0xbb: {  	v10 =	vadd.f32 v11, v10;
	v11 =	vmul.f32 v6, v12;
	_ =	sdelay $0x1  }
0xbc: {  	v10 =	vadd.f32 v11, v10;
	_ =	sdelay $0x1  }
0xbd: {  	v11 =	vadd.f32 v13, v3;
	v10 =	vadd.f32 v10, v10;
	_ =	sdelay $0x1  }
0xbe: {  	v10 =	vsub.f32 v11, v10;
	_ =	sdelay $0x1  }
0xbf: {  	vm3 =	vle.f32 v10, $3.999999910e-02  }
0xc0: {  	v11 =	vsel vm3, $0x1, v2  }
0xc1: {  	vm1 =	vle.f32 v10, $1.599999960e-01;
	(xrf0) =	vadd.scan.msk.s32 $0xffff, v11  }
0xc2: {  	v12 =	vsel vm1, $0x1, v2;
	v11 =	vmpcnt.ones.xlane vm4;
	vm4 =	vle.f32 v10, $6.399999860e-01  }
0xc3: {  	(xrf0) =	vadd.scan.msk.s32 $0xffff, v12;
	v10 =	vsel vm4, $0x1, v2  }
0xc4: {  	(xrf0) =	vadd.scan.msk.s32 $0xffff, v10;
	v10 =	vmpcnt.ones.xlane vm2  }
0xc5: {  	v9 =	vadd.s32 v9, v11;
	v11 =	vmpcnt.ones.xlane vm5  }
0xc6: {  	vm15 =	vlt.s32 v9, $0x10;
	v8 =	vadd.s32 v8, v10  }
0xc7: {  	v9 =	vnsel vm15, $0x10, v9;
	v7 =	vadd.s32 v7, v11;
	vm2 =	vlt.s32 v8, $0x20;
	v12, _, _ =	vpop (xrf0)  }
0xc8: {  	v8 =	vnsel vm2, $0x20, v8;
	vm2 =	vlt.s32 v7, $0x40;
	v10 =	vadd.s32 v12, v9  }
0xc9: {  	v11, _, _ =	vpop (xrf0);
	v7 =	vnsel vm2, $0x40, v7;
	v10 =	vadd.s32 $0xFFFFFFFF, v10  }
0xca: {  	v11 =	vadd.s32 v11, v8;
	v12, _, _ =	vpop (xrf0);
	vm8 =	vlt.s32 v10, $0x10;
	vm9 =	vlt.s32 v10, $0xF  }
0xcb: {  	v11 =	vadd.s32 $0xFFFFFFFF, v11;
	v12 =	vadd.s32 v12, v7;
	vm2 =	vmand vm3, vm8  }
0xcc: {  	v10 =	vnsel vm9, $0xF, v10;
	vm10 =	vlt.s32 v11, $0x20;
	v12 =	vadd.s32 $0xFFFFFFFF, v12  }
0xcd: {  	vm11 =	vlt.s32 v11, $0x1F;
	vm5 =	vmand vm1, vm10;
	vm12 =	vlt.s32 v12, $0x40  }
0xce: {  	v11 =	vnsel vm11, $0x1F, v11;
	vm14 =	vlt.s32 v12, $0x3F;
	vm13 =	vmand vm4, vm12  }
0xcf: {  	v12 =	vnsel vm14, $0x3F, v12  }
0xd0: {  	s21 =	sadd.s32 $0xFFFFFFE0, s13  }
0xd1: {  	v13 =	vor.u32 s21, v1  }
0xd2: {  	[tilespmem:v10+s9+$0x0] =	vst.idx.msk vm2, v13  }
0xd3: {  	[tilespmem:v11+s10+$0x0] =	vst.idx.msk vm5, v13  }
0xd4: {  	[tilespmem:v12+s11+$0x0] =	vst.idx.msk vm13, v13  }
0xd5: {  	v10 =	vld [tilespmem:s16+$0x0]  }
0xd6: {  	v11 =	vld [tilespmem:s14+$0x0];
	_ =	sdelay $0x1  }
0xd7: {  	v12 =	vld [tilespmem:s8+$0x0];
	_ =	sdelay $0x2  }
0xd8: {  	v10 =	vmul.f32 v4, v10;
	v11 =	vmul.f32 v5, v11  }
0xd9: {  	v13 =	vld [tilespmem:s15+$0x0]  }
0xda: {  	v10 =	vadd.f32 v11, v10;
	v11 =	vmul.f32 v6, v12;
	_ =	sdelay $0x1  }
0xdb: {  	v10 =	vadd.f32 v11, v10;
	_ =	sdelay $0x1  }
0xdc: {  	v11 =	vadd.f32 v13, v3;
	v10 =	vadd.f32 v10, v10;
	_ =	sdelay $0x1  }
0xdd: {  	v10 =	vsub.f32 v11, v10;
	_ =	sdelay $0x1  }
0xde: {  	vm5 =	vle.f32 v10, $3.999999910e-02  }
0xdf: {  	v11 =	vsel vm5, $0x1, v2  }
0xe0: {  	vm2 =	vle.f32 v10, $1.599999960e-01;
	(xrf0) =	vadd.scan.msk.s32 $0xffff, v11  }
0xe1: {  	v12 =	vsel vm2, $0x1, v2;
	v11 =	vmpcnt.ones.xlane vm3;
	vm3 =	vle.f32 v10, $6.399999860e-01  }
0xe2: {  	(xrf0) =	vadd.scan.msk.s32 $0xffff, v12;
	v10 =	vsel vm3, $0x1, v2  }
0xe3: {  	(xrf0) =	vadd.scan.msk.s32 $0xffff, v10;
	v10 =	vmpcnt.ones.xlane vm1  }
0xe4: {  	v9 =	vadd.s32 v9, v11;
	v11 =	vmpcnt.ones.xlane vm4  }
0xe5: {  	vm15 =	vlt.s32 v9, $0x10;
	v8 =	vadd.s32 v8, v10  }
0xe6: {  	v9 =	vnsel vm15, $0x10, v9;
	v7 =	vadd.s32 v7, v11;
	vm1 =	vlt.s32 v8, $0x20;
	v12, _, _ =	vpop (xrf0)  }
0xe7: {  	v8 =	vnsel vm1, $0x20, v8;
	vm1 =	vlt.s32 v7, $0x40;
	v10 =	vadd.s32 v12, v9  }
0xe8: {  	v11, _, _ =	vpop (xrf0);
	v7 =	vnsel vm1, $0x40, v7;
	v10 =	vadd.s32 $0xFFFFFFFF, v10  }
0xe9: {  	v11 =	vadd.s32 v11, v8;
	v12, _, _ =	vpop (xrf0);
	vm9 =	vlt.s32 v10, $0x10;
	vm10 =	vlt.s32 v10, $0xF  }
0xea: {  	v11 =	vadd.s32 $0xFFFFFFFF, v11;
	v12 =	vadd.s32 v12, v7;
	vm1 =	vmand vm5, vm9  }
0xeb: {  	v10 =	vnsel vm10, $0xF, v10;
	vm11 =	vlt.s32 v11, $0x20;
	v12 =	vadd.s32 $0xFFFFFFFF, v12  }
0xec: {  	vm12 =	vlt.s32 v11, $0x1F;
	vm4 =	vmand vm2, vm11;
	vm13 =	vlt.s32 v12, $0x40  }
0xed: {  	v11 =	vnsel vm12, $0x1F, v11;
	vm15 =	vlt.s32 v12, $0x3F;
	vm14 =	vmand vm3, vm13  }
0xee: {  	v12 =	vnsel vm15, $0x3F, v12  }
0xef: {  	s21 =	sadd.s32 $0xFFFFFFF0, s13  }
0xf0: {  	v13 =	vor.u32 s21, v1  }
0xf1: {  	[tilespmem:v10+s9+$0x0] =	vst.idx.msk vm1, v13  }
0xf2: {  	[tilespmem:v11+s10+$0x0] =	vst.idx.msk vm4, v13  }
0xf3: {  	[tilespmem:v12+s11+$0x0] =	vst.idx.msk vm14, v13  }
0xf4: {  	v10 =	vld [tilespmem:s16+$0x10]  }
0xf5: {  	v11 =	vld [tilespmem:s14+$0x10];
	_ =	sdelay $0x1  }
0xf6: {  	v12 =	vld [tilespmem:s8+$0x10];
	_ =	sdelay $0x2  }
0xf7: {  	v10 =	vmul.f32 v4, v10;
	v11 =	vmul.f32 v5, v11  }
0xf8: {  	v13 =	vld [tilespmem:s15+$0x10]  }
0xf9: {  	v10 =	vadd.f32 v11, v10;
	v11 =	vmul.f32 v6, v12;
	_ =	sdelay $0x1  }
0xfa: {  	v10 =	vadd.f32 v11, v10;
	_ =	sdelay $0x1  }
0xfb: {  	v11 =	vadd.f32 v13, v3;
	v10 =	vadd.f32 v10, v10;
	_ =	sdelay $0x1  }
0xfc: {  	v10 =	vsub.f32 v11, v10;
	_ =	sdelay $0x1  }
0xfd: {  	vm1 =	vle.f32 v10, $3.999999910e-02  }
0xfe: {  	vm9 =	vle.f32 v10, $1.599999960e-01;
	v11 =	vsel vm1, $0x1, v2  }
0xff: {  	v12 =	vsel vm9, $0x1, v2;
	(xrf0) =	vadd.scan.msk.s32 $0xffff, v11  }
0x100: {  	vm10 =	vle.f32 v10, $6.399999860e-01;
	(xrf0) =	vadd.scan.msk.s32 $0xffff, v12  }
0x101: {  	v10 =	vsel vm10, $0x1, v2;
	v11 =	vmpcnt.ones.xlane vm5  }
0x102: {  	(xrf0) =	vadd.scan.msk.s32 $0xffff, v10;
	v10 =	vmpcnt.ones.xlane vm2  }
0x103: {  	v9 =	vadd.s32 v9, v11  }
0x104: {  	v12 =	vmpcnt.ones.xlane vm3;
	vm11 =	vlt.s32 v9, $0x10;
	v8 =	vadd.s32 v8, v10  }
0x105: {  	v9 =	vnsel vm11, $0x10, v9;
	vm2 =	vlt.s32 v8, $0x20;
	v11, _, _ =	vpop (xrf0)  }
0x106: {  	v7 =	vadd.s32 v7, v12;
	v8 =	vnsel vm2, $0x20, v8;
	v10 =	vadd.s32 v11, v9;
	v11, _, _ =	vpop (xrf0)  }
0x107: {  	vm2 =	vlt.s32 v7, $0x40;
	v10 =	vadd.s32 $0xFFFFFFFF, v10;
	v11 =	vadd.s32 v11, v8  }
0x108: {  	v7 =	vnsel vm2, $0x40, v7;
	v12, _, _ =	vpop (xrf0);
	vm3 =	vlt.s32 v10, $0x10;
	v11 =	vadd.s32 $0xFFFFFFFF, v11  }
0x109: {  	v12 =	vadd.s32 v12, v7;
	vm2 =	vmand vm1, vm3;
	vm3 =	vlt.s32 v10, $0xF  }
0x10a: {  	v12 =	vadd.s32 $0xFFFFFFFF, v12;
	v10 =	vnsel vm3, $0xF, v10;
	vm3 =	vlt.s32 v11, $0x20  }
0x10b: {  	vm12 =	vlt.s32 v11, $0x1F;
	vm13 =	vlt.s32 v12, $0x40;
	vm3 =	vmand vm9, vm3  }
0x10c: {  	s12 =	sadd.s32 $0x4, s12;
	v13 =	vnsel vm12, $0x1F, v11;
	vm15 =	vlt.s32 v12, $0x3F;
	vm14 =	vmand vm10, vm13  }
0x10d: {  	p0 =	slt.u32 s12, $0xFC;
	v11 =	vmpcnt.ones.xlane vm1;
	v14 =	vnsel vm15, $0x3F, v12  }
.Ltmp1:
0x10e: {  	v15 =	vmpcnt.ones.xlane vm9;
	v17 =	vmpcnt.ones.xlane vm10;
	(pc) =	sbr.rel @p0 .LBB2_5-.Ltmp1, $4  }
0x10f: {  	v16 =	vor.u32 s13, v1;
	v12 =	vadd.s32 v9, v11  }
0x110: {  	v11 =	vadd.s32 v8, v15;
	[tilespmem:v10+s9+$0x0] =	vst.idx.msk vm2, v16;
	v10 =	vadd.s32 v7, v17  }
0x111: {  	s13 =	sadd.s32 $0x40, s13;
	s8 =	sadd.s32 $0x40, s8;
	vm1 =	vlt.s32 v12, $0x10;
	vm2 =	vlt.s32 v11, $0x20;
	[tilespmem:v13+s10+$0x0] =	vst.idx.msk vm3, v16;
	vm3 =	vlt.s32 v10, $0x40  }
0x112: {  	s15 =	sadd.s32 $0x40, s15;
	s16 =	sadd.s32 $0x40, s16;
	s14 =	sadd.s32 $0x40, s14;
	v9 =	vnsel vm1, $0x10, v12;
	v8 =	vnsel vm2, $0x20, v11;
	[tilespmem:v14+s11+$0x0] =	vst.idx.msk vm14, v16;
	v7 =	vnsel vm3, $0x40, v10  }
0x113: {  	v3 =	vmov s7  }
0x114: {  	v4 =	vsel vm0, $0x3, v2;
	v3 =	vshrl.u32 v3, $0x3  }
0x115: {  	v3 =	vshll.u32 v3, v4  }
0x116: {  	v3 =	vbroadcast v3, $0x0;
	_ =	sdelay $0x4  }
0x117: {  	s8 =	simm.s32 $0x5000;
	v5 =	vmov s6  }
0x118: {  	v5 =	vshrl.u32 v5, $0x3;
	v3 =	vld.idx.msk [tilespmem:v3+s8+$0x0], $0xffff  }
0x119: {  	v6 =	vld [tilespmem:s7+$0x5000];
	v5 =	vshll.u32 v5, v4  }
0x11a: {  	v5 =	vbroadcast v5, $0x0;
	_ =	sdelay $0x1  }
0x11b: {  	vm1 =	vgt.s32 v12, $0x0  }
0x11c: {  	v3 =	vsel vm1, v3, v0;
	vm1 =	vgt.s32 v12, v1  }
0x11d: {  	v3 =	vsel vm1, v6, v3  }
0x11e: {  	[tilespmem:s7+$0x5000] =	vst v3;
	s7 =	simm.s32 $0x5480  }
0x11f: {  	v55 =	vmov s5;
	v3 =	vld.idx.msk [tilespmem:v5+s7+$0x0], $0xffff  }
0x120: {  	v56 =	vld [tilespmem:s6+$0x5480];
	v5 =	vshrl.u32 v55, $0x3  }
0x121: {  	v7 =	vld [tilespmem:s6+$0x5490];
	v4 =	vshll.u32 v5, v4  }
0x122: {  	v4 =	vbroadcast v4, $0x0  }
0x123: {  	vm1 =	vgt.s32 v11, $0x0  }
0x124: {  	v57 =	vor.u32 $0x10, v1;
	v3 =	vsel vm1, v3, v0;
	vm1 =	vgt.s32 v11, v1  }
0x125: {  	v6 =	vsel vm1, v56, v3;
	vm1 =	vgt.s32 v11, v57  }
0x126: {  	[tilespmem:s6+$0x5480] =	vst v6;
	v3 =	vsel vm1, v7, v3  }
0x127: {  	[tilespmem:s6+$0x5490] =	vst v3  }
0x128: {  	v3 =	vld.idx.msk [tilespmem:v4+s25+$0x0], $0xffff  }
0x129: {  	v58 =	vld [tilespmem:s5+$0x5D80]  }
0x12a: {  	v6 =	vld [tilespmem:s5+$0x5D90]  }
0x12b: {  	v59 =	vld [tilespmem:s5+$0x5DA0]  }
0x12c: {  	s4 =	sadd.s32 $0x1, s4;
	vm1 =	vgt.s32 v10, $0x0;
	v8 =	vld [tilespmem:s5+$0x5DB0]  }
0x12d: {  	p0 =	sne.s32 s4, $0x48;
	v3 =	vsel vm1, v3, v0;
	vm1 =	vgt.s32 v10, v1  }
.Ltmp2:
0x12e: {  	v60 =	vor.u32 $0x20, v1;
	v4 =	vsel vm1, v58, v3;
	vm1 =	vgt.s32 v10, v57;
	(pc) =	sbr.rel @p0 .LBB2_4-.Ltmp2, $4  }
0x12f: {  	v62 =	vor.u32 $0x30, v1;
	[tilespmem:s5+$0x5D80] =	vst v4;
	v61 =	vsel vm1, v6, v3;
	vm1 =	vgt.s32 v10, v60  }
0x130: {  	[tilespmem:s5+$0x5D90] =	vst v61;
	v63 =	vsel vm1, v59, v3;
	vm1 =	vgt.s32 v10, v62  }
0x131: {  	[tilespmem:s5+$0x5DA0] =	vst v63;
	v3 =	vsel vm1, v8, v3  }
0x132: {  	[tilespmem:s5+$0x5DB0] =	vst v3  }
0x133: {  	[tilespmem:s28], [sflag:$0x1] =	stream.indirect.gather [hbm4b:s3+s26], $0x30, s8, s26, $0xb8;
	[tilespmem:$0x16CE0] =	vst v63  }
0x134: {  	s4 =	rddreg [dreg:$0x4];
	s5 =	simm.s32 $0x5060  }
0x135: {  	[tilespmem:s4], [sflag:$0x1] =	stream.indirect.gather [hbm4b:s3+s26], $0x30, s5, s26, $0xb8;
	[tilespmem:$0x16CE0] =	vst v63  }
0x136: {  	_ = 	snop  }
0x137: {  	[tilespmem:s30], [sflag:$0x1] =	stream.indirect.gather [hbm4b:s3+s29], $0x30, s7, s29, $0xb8;
	[tilespmem:$0x16CE0] =	vst v63  }
0x138: {  	s16 =	rddreg [dreg:$0x5];
	s21 =	simm.s32 $0x5500  }
0x139: {  	[tilespmem:s16], [sflag:$0x1] =	stream.indirect.gather [hbm4b:s3+s29], $0x30, s21, s29, $0xb8;
	[tilespmem:$0x16CE0] =	vst v63  }
0x13a: {  	s6 =	rddreg [dreg:$0x6];
	s7 =	simm.s32 $0x5580  }
0x13b: {  	[tilespmem:s6], [sflag:$0x1] =	stream.indirect.gather [hbm4b:s3+s29], $0x30, s7, s29, $0xb8;
	[tilespmem:$0x16CE0] =	vst v63  }
0x13c: {  	s8 =	simm.s32 $0x5D80  }
0x13d: {  	[tilespmem:s31], [sflag:$0x1] =	stream.indirect.gather [hbm4b:s3+s29], $0x30, s8, s29, $0xb8;
	[tilespmem:$0x16CE0] =	vst v63  }
0x13e: {  	s9 =	rddreg [dreg:$0x7];
	s10 =	simm.s32 $0x5E00  }
0x13f: {  	[tilespmem:s9], [sflag:$0x1] =	stream.indirect.gather [hbm4b:s3+s29], $0x30, s10, s29, $0xb8;
	[tilespmem:$0x16CE0] =	vst v63  }
0x140: {  	s11 =	rddreg [dreg:$0x8];
	s12 =	simm.s32 $0x5E80  }
0x141: {  	[tilespmem:s11], [sflag:$0x1] =	stream.indirect.gather [hbm4b:s3+s29], $0x30, s12, s29, $0xb8;
	[tilespmem:$0x16CE0] =	vst v63  }
0x142: {  	s13 =	simm.s32 $0x5F00  }
0x143: {  	[tilespmem:s1], [sflag:$0x1] =	stream.indirect.gather [hbm4b:s3+s29], $0x30, s13, s29, $0xb8;
	[tilespmem:$0x16CE0] =	vst v63  }
0x144: {  	s14 =	simm.s32 $0x5F80  }
0x145: {  	[tilespmem:s0], [sflag:$0x1] =	stream.indirect.gather [hbm4b:s3+s29], $0x30, s14, s29, $0xb8;
	[tilespmem:$0x16CE0] =	vst v63  }
0x146: {  	s15 =	simm.s32 $0x6000  }
0x147: {  	[tilespmem:s18], [sflag:$0x1] =	stream.indirect.gather [hbm4b:s3+s29], $0x30, s15, s29, $0xb8;
	[tilespmem:$0x16CE0] =	vst v63  }
0x148: {  	_ =	swait.ge [sflag:s19], $0x1200  }
0x149: {  	[sflag:s19] =	ssyncset.done $0x0  }
0x14a: {  	[sflag:s19] =	ssyncadd.s32 $0xFFFFEE00  }
0x14b: {  	_ =	swait.ge [sflag:s19], $0x1200  }
0x14c: {  	[sflag:s19] =	ssyncset.done $0x0  }
0x14d: {  	[sflag:s19] =	ssyncadd.s32 $0xFFFFEE00  }
0x14e: {  	_ =	swait.ge [sflag:s19], $0x1800  }
0x14f: {  	[sflag:s19] =	ssyncset.done $0x0  }
0x150: {  	[sflag:s19] =	ssyncadd.s32 $0xFFFFE800  }
0x151: {  	_ =	swait.ge [sflag:s19], $0x1800  }
0x152: {  	[sflag:s19] =	ssyncset.done $0x0  }
0x153: {  	[sflag:s19] =	ssyncadd.s32 $0xFFFFE800  }
0x154: {  	_ =	swait.ge [sflag:s19], $0x1800  }
0x155: {  	[sflag:s19] =	ssyncset.done $0x0  }
0x156: {  	[sflag:s19] =	ssyncadd.s32 $0xFFFFE800  }
0x157: {  	_ =	swait.ge [sflag:s19], $0x1800  }
0x158: {  	[sflag:s19] =	ssyncset.done $0x0  }
0x159: {  	[sflag:s19] =	ssyncadd.s32 $0xFFFFE800  }
0x15a: {  	_ =	swait.ge [sflag:s19], $0x1800  }
0x15b: {  	[sflag:s19] =	ssyncset.done $0x0  }
0x15c: {  	[sflag:s19] =	ssyncadd.s32 $0xFFFFE800  }
0x15d: {  	_ =	swait.ge [sflag:s19], $0x1800  }
0x15e: {  	[sflag:s19] =	ssyncset.done $0x0  }
0x15f: {  	[sflag:s19] =	ssyncadd.s32 $0xFFFFE800  }
0x160: {  	_ =	swait.ge [sflag:s19], $0x1800  }
0x161: {  	[sflag:s19] =	ssyncset.done $0x0  }
0x162: {  	[sflag:s19] =	ssyncadd.s32 $0xFFFFE800  }
0x163: {  	_ =	swait.ge [sflag:s19], $0x1800  }
0x164: {  	[sflag:s19] =	ssyncset.done $0x0  }
0x165: {  	[sflag:s19] =	ssyncadd.s32 $0xFFFFE800  }
0x166: {  	_ =	swait.ge [sflag:s19], $0x1800  }
0x167: {  	[sflag:s19] =	ssyncset.done $0x0  }
0x168: {  	s16 =	rddreg [dreg:$0x14];
	[sflag:s19] =	ssyncadd.s32 $0xFFFFE800  }
0x169: {  	[hbm4b:s16+s2] =	stream.linear.scatter [tilespmem:s28], [sflag:$0x2], $0x2400, $0x38;
	[tilespmem:$0x16CE0] =	vst v63  }
0x16a: {  	_ =	swait.ge [sflag:s17], $0x2400  }
0x16b: {  	[sflag:s17] =	ssyncset.done $0x0  }
0x16c: {  	s21 =	rddreg [dreg:$0x13];
	[sflag:s17] =	ssyncadd.s32 $0xFFFFDC00  }
0x16d: {  	[hbm4b:s21+s2] =	stream.linear.scatter [tilespmem:s30], [sflag:$0x2], $0x4800, $0x38;
	[tilespmem:$0x16CE0] =	vst v63  }
0x16e: {  	_ =	swait.ge [sflag:s17], $0x4800  }
0x16f: {  	s7 =	simm.s32 $0xC00;
	[sflag:s17] =	ssyncset.done $0x0  }
0x170: {  	s8 =	simm.s32 $0x5600;
	s4 =	rddreg [dreg:$0x12];
	[sflag:s17] =	ssyncadd.s32 $0xFFFFB800  }
0x171: {  	[hbm4b:s4+s2] =	stream.linear.scatter [tilespmem:s31], [sflag:$0x2], $0x9000, $0x38;
	[tilespmem:$0x16CE0] =	vst v63  }
0x172: {  	s10 =	simm.s32 $0x1800;
	s9 =	simm.s32 $0x50C0;
	_ =	swait.ge [sflag:s17], $0x9000  }
0x173: {  	s6 =	sadd.s32 $0x480, s16;
	s5 =	sadd.s32 $0x900, s21;
	[sflag:s17] =	ssyncset.done $0x0  }
.LBB2_8:
0x174: {  	[sflag:s17] =	ssyncadd.s32 $0xFFFF7000  }
0x175: {  	[tilespmem:s28], [sflag:$0x1] =	stream.indirect.gather [hbm4b:s3+s26], $0x30, s9, s26, $0xb8;
	[tilespmem:$0x16CE0] =	vst v63  }
0x176: {  	s11 =	rddreg [dreg:$0x4];
	s13 =	sadd.s32 $0x60, s9  }
0x177: {  	[tilespmem:s11], [sflag:$0x1] =	stream.indirect.gather [hbm4b:s3+s26], $0x30, s13, s26, $0xb8;
	[tilespmem:$0x16CE0] =	vst v63  }
0x178: {  	_ = 	snop  }
0x179: {  	[tilespmem:s30], [sflag:$0x1] =	stream.indirect.gather [hbm4b:s3+s29], $0x30, s8, s29, $0xb8;
	[tilespmem:$0x16CE0] =	vst v63  }
0x17a: {  	s15 =	rddreg [dreg:$0x5];
	s16 =	sadd.s32 $0x80, s8  }
0x17b: {  	[tilespmem:s15], [sflag:$0x1] =	stream.indirect.gather [hbm4b:s3+s29], $0x30, s16, s29, $0xb8;
	[tilespmem:$0x16CE0] =	vst v63  }
0x17c: {  	s14 =	rddreg [dreg:$0x6];
	s21 =	sadd.s32 $0x100, s8;
	s13 =	sshra.s32 s7, $0x2  }
0x17d: {  	[tilespmem:s14], [sflag:$0x1] =	stream.indirect.gather [hbm4b:s3+s29], $0x30, s21, s29, $0xb8;
	[tilespmem:$0x16CE0] =	vst v63  }
0x17e: {  	s14 =	sadd.s32 $0x5D80, s13  }
0x17f: {  	[tilespmem:s31], [sflag:$0x1] =	stream.indirect.gather [hbm4b:s3+s29], $0x30, s14, s29, $0xb8;
	[tilespmem:$0x16CE0] =	vst v63  }
0x180: {  	s12 =	smov.u32 s10;
	s15 =	rddreg [dreg:$0x7];
	s16 =	sadd.s32 $0x5E00, s13  }
0x181: {  	[tilespmem:s15], [sflag:$0x1] =	stream.indirect.gather [hbm4b:s3+s29], $0x30, s16, s29, $0xb8;
	[tilespmem:$0x16CE0] =	vst v63  }
0x182: {  	s7 =	smov.u32 s12;
	s12 =	sadd.s32 $0x5E80, s13;
	s21 =	rddreg [dreg:$0x8]  }
0x183: {  	[tilespmem:s21], [sflag:$0x1] =	stream.indirect.gather [hbm4b:s3+s29], $0x30, s12, s29, $0xb8;
	[tilespmem:$0x16CE0] =	vst v63  }
0x184: {  	s15 =	sadd.s32 $0x5F00, s13  }
0x185: {  	[tilespmem:s1], [sflag:$0x1] =	stream.indirect.gather [hbm4b:s3+s29], $0x30, s15, s29, $0xb8;
	[tilespmem:$0x16CE0] =	vst v63  }
0x186: {  	s16 =	sadd.s32 $0x5F80, s13  }
0x187: {  	[tilespmem:s0], [sflag:$0x1] =	stream.indirect.gather [hbm4b:s3+s29], $0x30, s16, s29, $0xb8;
	[tilespmem:$0x16CE0] =	vst v63  }
0x188: {  	s21 =	sadd.s32 $0x6000, s13  }
0x189: {  	[tilespmem:s18], [sflag:$0x1] =	stream.indirect.gather [hbm4b:s3+s29], $0x30, s21, s29, $0xb8;
	[tilespmem:$0x16CE0] =	vst v63  }
0x18a: {  	_ =	swait.ge [sflag:s19], $0x1200  }
0x18b: {  	[sflag:s19] =	ssyncset.done $0x0  }
0x18c: {  	[sflag:s19] =	ssyncadd.s32 $0xFFFFEE00  }
0x18d: {  	_ =	swait.ge [sflag:s19], $0x1200  }
0x18e: {  	[sflag:s19] =	ssyncset.done $0x0  }
0x18f: {  	[sflag:s19] =	ssyncadd.s32 $0xFFFFEE00  }
0x190: {  	_ =	swait.ge [sflag:s19], $0x1800  }
0x191: {  	[sflag:s19] =	ssyncset.done $0x0  }
0x192: {  	[sflag:s19] =	ssyncadd.s32 $0xFFFFE800  }
0x193: {  	_ =	swait.ge [sflag:s19], $0x1800  }
0x194: {  	[sflag:s19] =	ssyncset.done $0x0  }
0x195: {  	[sflag:s19] =	ssyncadd.s32 $0xFFFFE800  }
0x196: {  	_ =	swait.ge [sflag:s19], $0x1800  }
0x197: {  	[sflag:s19] =	ssyncset.done $0x0  }
0x198: {  	[sflag:s19] =	ssyncadd.s32 $0xFFFFE800  }
0x199: {  	_ =	swait.ge [sflag:s19], $0x1800  }
0x19a: {  	[sflag:s19] =	ssyncset.done $0x0  }
0x19b: {  	[sflag:s19] =	ssyncadd.s32 $0xFFFFE800  }
0x19c: {  	_ =	swait.ge [sflag:s19], $0x1800  }
0x19d: {  	[sflag:s19] =	ssyncset.done $0x0  }
0x19e: {  	[sflag:s19] =	ssyncadd.s32 $0xFFFFE800  }
0x19f: {  	_ =	swait.ge [sflag:s19], $0x1800  }
0x1a0: {  	[sflag:s19] =	ssyncset.done $0x0  }
0x1a1: {  	[sflag:s19] =	ssyncadd.s32 $0xFFFFE800  }
0x1a2: {  	_ =	swait.ge [sflag:s19], $0x1800  }
0x1a3: {  	[sflag:s19] =	ssyncset.done $0x0  }
0x1a4: {  	[sflag:s19] =	ssyncadd.s32 $0xFFFFE800  }
0x1a5: {  	_ =	swait.ge [sflag:s19], $0x1800  }
0x1a6: {  	[sflag:s19] =	ssyncset.done $0x0  }
0x1a7: {  	[sflag:s19] =	ssyncadd.s32 $0xFFFFE800  }
0x1a8: {  	_ =	swait.ge [sflag:s19], $0x1800  }
0x1a9: {  	[sflag:s19] =	ssyncset.done $0x0  }
0x1aa: {  	[sflag:s19] =	ssyncadd.s32 $0xFFFFE800  }
0x1ab: {  	[hbm4b:s6+s2] =	stream.linear.scatter [tilespmem:s28], [sflag:$0x2], $0x2400, $0x38;
	[tilespmem:$0x16CE0] =	vst v63  }
0x1ac: {  	_ =	swait.ge [sflag:s17], $0x2400  }
0x1ad: {  	[sflag:s17] =	ssyncset.done $0x0  }
0x1ae: {  	[sflag:s17] =	ssyncadd.s32 $0xFFFFDC00  }
0x1af: {  	[hbm4b:s5+s2] =	stream.linear.scatter [tilespmem:s30], [sflag:$0x2], $0x4800, $0x38;
	[tilespmem:$0x16CE0] =	vst v63  }
0x1b0: {  	p0 =	sne.s32 s10, $0x3C00;
	_ =	swait.ge [sflag:s17], $0x4800  }
.Ltmp3:
0x1b1: {  	[sflag:s17] =	ssyncset.done $0x0;
	(pc) =	sbr.rel @p0 .LBB2_8-.Ltmp3, $4  }
0x1b2: {  	s4 =	sadd.s32 $0x1200, s4;
	s10 =	sadd.s32 $0xC00, s10;
	[sflag:s17] =	ssyncadd.s32 $0xFFFFB800  }
0x1b3: {  	[hbm4b:s4+s2] =	stream.linear.scatter [tilespmem:s31], [sflag:$0x2], $0x9000, $0x38;
	[tilespmem:$0x16CE0] =	vst v63  }
0x1b4: {  	s9 =	sadd.s32 $0xC0, s9;
	s8 =	sadd.s32 $0x180, s8;
	_ =	swait.ge [sflag:s17], $0x9000  }
0x1b5: {  	s6 =	sadd.s32 $0x480, s6;
	s5 =	sadd.s32 $0x900, s5;
	[sflag:s17] =	ssyncset.done $0x0  }
0x1b6: {  	[sflag:s17] =	ssyncadd.s32 $0xFFFF7000  }
0x1b7: {  	[tilespmem:s28], [sflag:$0x1] =	stream.indirect.gather [hbm4b:s3+s26], $0x30, s9, s26, $0xb8;
	[tilespmem:$0x16CE0] =	vst v63  }
0x1b8: {  	s10 =	rddreg [dreg:$0x4];
	s21 =	sadd.s32 $0x60, s9  }
0x1b9: {  	[tilespmem:s10], [sflag:$0x1] =	stream.indirect.gather [hbm4b:s3+s26], $0x30, s21, s26, $0xb8;
	[tilespmem:$0x16CE0] =	vst v63  }
0x1ba: {  	_ = 	snop  }
0x1bb: {  	[tilespmem:s30], [sflag:$0x1] =	stream.indirect.gather [hbm4b:s3+s29], $0x30, s8, s29, $0xb8;
	[tilespmem:$0x16CE0] =	vst v63  }
0x1bc: {  	s12 =	sadd.s32 $0x80, s8;
	s10 =	rddreg [dreg:$0x5]  }
0x1bd: {  	[tilespmem:s10], [sflag:$0x1] =	stream.indirect.gather [hbm4b:s3+s29], $0x30, s12, s29, $0xb8;
	[tilespmem:$0x16CE0] =	vst v63  }
0x1be: {  	s11 =	rddreg [dreg:$0x6];
	s13 =	sadd.s32 $0x100, s8;
	s7 =	sshra.s32 s7, $0x2  }
0x1bf: {  	[tilespmem:s11], [sflag:$0x1] =	stream.indirect.gather [hbm4b:s3+s29], $0x30, s13, s29, $0xb8;
	[tilespmem:$0x16CE0] =	vst v63  }
0x1c0: {  	s14 =	sadd.s32 $0x5D80, s7  }
0x1c1: {  	[tilespmem:s31], [sflag:$0x1] =	stream.indirect.gather [hbm4b:s3+s29], $0x30, s14, s29, $0xb8;
	[tilespmem:$0x16CE0] =	vst v63  }
0x1c2: {  	s15 =	rddreg [dreg:$0x7];
	s16 =	sadd.s32 $0x5E00, s7  }
0x1c3: {  	[tilespmem:s15], [sflag:$0x1] =	stream.indirect.gather [hbm4b:s3+s29], $0x30, s16, s29, $0xb8;
	[tilespmem:$0x16CE0] =	vst v63  }
0x1c4: {  	s9 =	sadd.s32 $0x5E80, s7;
	s21 =	rddreg [dreg:$0x8]  }
0x1c5: {  	[tilespmem:s21], [sflag:$0x1] =	stream.indirect.gather [hbm4b:s3+s29], $0x30, s9, s29, $0xb8;
	[tilespmem:$0x16CE0] =	vst v63  }
0x1c6: {  	s11 =	sadd.s32 $0x5F00, s7  }
0x1c7: {  	[tilespmem:s1], [sflag:$0x1] =	stream.indirect.gather [hbm4b:s3+s29], $0x30, s11, s29, $0xb8;
	[tilespmem:$0x16CE0] =	vst v63  }
0x1c8: {  	s12 =	sadd.s32 $0x5F80, s7  }
0x1c9: {  	[tilespmem:s0], [sflag:$0x1] =	stream.indirect.gather [hbm4b:s3+s29], $0x30, s12, s29, $0xb8;
	[tilespmem:$0x16CE0] =	vst v63  }
0x1ca: {  	s7 =	sadd.s32 $0x6000, s7  }
0x1cb: {  	[tilespmem:s18], [sflag:$0x1] =	stream.indirect.gather [hbm4b:s3+s29], $0x30, s7, s29, $0xb8;
	[tilespmem:$0x16CE0] =	vst v63  }
0x1cc: {  	_ =	swait.ge [sflag:s19], $0x1200  }
0x1cd: {  	[sflag:s19] =	ssyncset.done $0x0  }
0x1ce: {  	[sflag:s19] =	ssyncadd.s32 $0xFFFFEE00  }
0x1cf: {  	_ =	swait.ge [sflag:s19], $0x1200  }
0x1d0: {  	[sflag:s19] =	ssyncset.done $0x0  }
0x1d1: {  	[sflag:s19] =	ssyncadd.s32 $0xFFFFEE00  }
0x1d2: {  	_ =	swait.ge [sflag:s19], $0x1800  }
0x1d3: {  	[sflag:s19] =	ssyncset.done $0x0  }
0x1d4: {  	[sflag:s19] =	ssyncadd.s32 $0xFFFFE800  }
0x1d5: {  	_ =	swait.ge [sflag:s19], $0x1800  }
0x1d6: {  	[sflag:s19] =	ssyncset.done $0x0  }
0x1d7: {  	[sflag:s19] =	ssyncadd.s32 $0xFFFFE800  }
0x1d8: {  	_ =	swait.ge [sflag:s19], $0x1800  }
0x1d9: {  	[sflag:s19] =	ssyncset.done $0x0  }
0x1da: {  	[sflag:s19] =	ssyncadd.s32 $0xFFFFE800  }
0x1db: {  	_ =	swait.ge [sflag:s19], $0x1800  }
0x1dc: {  	[sflag:s19] =	ssyncset.done $0x0  }
0x1dd: {  	[sflag:s19] =	ssyncadd.s32 $0xFFFFE800  }
0x1de: {  	_ =	swait.ge [sflag:s19], $0x1800  }
0x1df: {  	[sflag:s19] =	ssyncset.done $0x0  }
0x1e0: {  	[sflag:s19] =	ssyncadd.s32 $0xFFFFE800  }
0x1e1: {  	_ =	swait.ge [sflag:s19], $0x1800  }
0x1e2: {  	[sflag:s19] =	ssyncset.done $0x0  }
0x1e3: {  	[sflag:s19] =	ssyncadd.s32 $0xFFFFE800  }
0x1e4: {  	_ =	swait.ge [sflag:s19], $0x1800  }
0x1e5: {  	[sflag:s19] =	ssyncset.done $0x0  }
0x1e6: {  	[sflag:s19] =	ssyncadd.s32 $0xFFFFE800  }
0x1e7: {  	_ =	swait.ge [sflag:s19], $0x1800  }
0x1e8: {  	[sflag:s19] =	ssyncset.done $0x0  }
0x1e9: {  	[sflag:s19] =	ssyncadd.s32 $0xFFFFE800  }
0x1ea: {  	_ =	swait.ge [sflag:s19], $0x1800  }
0x1eb: {  	[sflag:s19] =	ssyncset.done $0x0  }
0x1ec: {  	[sflag:s19] =	ssyncadd.s32 $0xFFFFE800  }
0x1ed: {  	[hbm4b:s6+s2] =	stream.linear.scatter [tilespmem:s28], [sflag:$0x2], $0x2400, $0x38;
	[tilespmem:$0x16CE0] =	vst v63  }
0x1ee: {  	_ =	swait.ge [sflag:s17], $0x2400  }
0x1ef: {  	[sflag:s17] =	ssyncset.done $0x0  }
0x1f0: {  	[sflag:s17] =	ssyncadd.s32 $0xFFFFDC00  }
0x1f1: {  	[hbm4b:s5+s2] =	stream.linear.scatter [tilespmem:s30], [sflag:$0x2], $0x4800, $0x38;
	[tilespmem:$0x16CE0] =	vst v63  }
0x1f2: {  	_ =	swait.ge [sflag:s17], $0x4800  }
0x1f3: {  	[sflag:s17] =	ssyncset.done $0x0  }
0x1f4: {  	s4 =	sadd.s32 $0x1200, s4;
	[sflag:s17] =	ssyncadd.s32 $0xFFFFB800  }
0x1f5: {  	[hbm4b:s4+s2] =	stream.linear.scatter [tilespmem:s31], [sflag:$0x2], $0x9000, $0x38;
	[tilespmem:$0x16CE0] =	vst v63  }
0x1f6: {  	_ =	swait.ge [sflag:s17], $0x9000  }
0x1f7: {  	[sflag:s17] =	ssyncset.done $0x0  }
0x1f8: {  	s13 =	rddreg [dreg:$0xd];
	[sflag:s17] =	ssyncadd.s32 $0xFFFF7000  }
0x1f9: {  	[hbm4b:s13+s2] =	stream.linear.scatter [tilespmem:s22], [sflag:$0x2], $0x48, $0x38;
	[tilespmem:$0x16CE0] =	vst v63  }
0x1fa: {  	_ =	swait.ge [sflag:s17], $0x48  }
0x1fb: {  	[sflag:s17] =	ssyncset.done $0x0  }
0x1fc: {  	s14 =	rddreg [dreg:$0xf];
	[sflag:s17] =	ssyncadd.s32 $0xFFFFFFB8  }
0x1fd: {  	[hbm4b:s14+s2] =	stream.linear.scatter [tilespmem:s23], [sflag:$0x2], $0x48, $0x38;
	[tilespmem:$0x16CE0] =	vst v63  }
0x1fe: {  	_ =	swait.ge [sflag:s17], $0x48  }
0x1ff: {  	[sflag:s17] =	ssyncset.done $0x0  }
0x200: {  	s15 =	rddreg [dreg:$0x10];
	[sflag:s17] =	ssyncadd.s32 $0xFFFFFFB8  }
0x201: {  	[hbm4b:s15+s2] =	stream.linear.scatter [tilespmem:s24], [sflag:$0x2], $0x48, $0x38;
	[tilespmem:$0x16CE0] =	vst v63  }
0x202: {  	_ =	swait.ge [sflag:s17], $0x48  }
0x203: {  	s16 =	rddreg [dreg:$0x15]  }
0x204: {  	s21 =	rddreg [dreg:$0x11];
	s5 =	sadd.s32 $0x1, s16  }
0x205: {  	p0 =	sne.s32 s5, s21  }
.Ltmp4:
0x206: {  	_ = 	snop;
	(pc) =	sbr.rel @p0 .LBB2_1-.Ltmp4, $3  }
0x207: {  	_ =	sdelay $0x1  }
0x208: {  	[sflag:s17] =	ssyncset.done $0x0  }
0x209: {  	s7 =	simm.s32 $0x4000;
	[sflag:s17] =	ssyncadd.s32 $0xFFFFFFB8  }
0x20a: {  	_ =	sfence.sel $0x180000  }
0x20b: {  	[bflag:$0x0] =	sbarrier.arrive $0xFFFF  }
0x20c: {  	_ =	strace $0x90000047  }
0x20d: {  	s0 =	stileid.u32;
	[bflag:$0x2] =	sbarrier.arrive $0xFFFF  }
0x20e: {  	p0 =	sne.s32 s0, $0x0;
	s0 =	rddreg [dreg:$0x3]  }
0x20f: {  	s0 =	sadd.s32 @!p0 $0x100000, s0  }
0x210: {  	[sflag:s0] =	ssyncadd.tile.s32 @!p0 $0x1;
	_ =	shalt  }
.Lfunc_end2:
_tile_overlayer_lowered:
.L_overlay_start_2:
0x211: {  	(tag) =	ssettag $0x2  }
0x212: {  	s0 =	rddreg [dreg:$0x0];
	s2 =	stileid.u32  }
0x213: {  	s1 =	rddreg [dreg:$0x1];
	p0 =	sne.s32 s2, $0x0  }
0x214: {  	s3 =	rddreg [dreg:$0x2];
	[bflag:$0x3] =	sbarrier.arrive $0xFFFF;
	s2 =	simm.s32 @!p0 $0x1C02  }
0x215: {  	[timem:s3], [sflag:s2] =	dma.local @!p0 [hbm:s0], s1  }
0x216: {  	s0 =	simm.s32 @!p0 $0x2  }
0x217: {  	_ =	swait.ge @!p0 [sflag:s0], s1  }
0x218: {  	s1 =	ssub.s32 @!p0 $0x0, s1;
	[sflag:s0] =	ssyncset.done @!p0 $0x0  }
0x219: {  	[sflag:s0] =	ssyncadd.s32 @!p0 s1  }
0x21a: {  	[bflag:$0x3] =	sbarrier.arrive $0xFFFF  }
0x21b: {  	_ =	shalt  }

</sc_bundles>
